<compile_context>
chip_gen: v7x
topology: tpu7x:2x2x1
jax: 0.10.2.dev20260603
libtpu: 0.0.44.dev20260713+nightly
codegen_flags: <defaults>
</compile_context>

<pallas_src>
import jax
import jax.numpy as jnp
from jax import lax
from jax.experimental import pallas as pl
from jax.experimental.pallas import tpu as pltpu
from jax.experimental.pallas import tpu_sc as plsc

NUM_STATES = 100000
NUM_ACTIONS = 128
BATCH = 4096

_NC = 2
_NS = 16
_NW = _NC * _NS
_BPW = BATCH // _NW
_NV = NUM_ACTIONS // 16

_LN2 = 0.6931471805599453


def _ln_f32(s):
    bits = lax.bitcast_convert_type(s, jnp.int32)
    e = lax.shift_right_arithmetic(bits, jnp.full_like(bits, 23)) - jnp.int32(
        127
    )
    mbits = lax.bitwise_or(
        lax.bitwise_and(bits, jnp.int32(0x007FFFFF)), jnp.int32(0x3F800000)
    )
    m = lax.bitcast_convert_type(mbits, jnp.float32)
    ef = lax.convert_element_type(e, jnp.float32)
    w = (m - jnp.float32(1.0)) / (m + jnp.float32(1.0))
    w2 = w * w
    p = w * (
        jnp.float32(2.0)
        + w2 * (jnp.float32(2.0 / 3) + w2 * jnp.float32(2.0 / 5))
    )
    return ef * jnp.float32(_LN2) + p


def _sc_body(idx_hbm, table_hbm, out_hbm, idx_v, rows_v, gs0, osem):
    wid = lax.axis_index("s") * _NC + lax.axis_index("c")
    base = wid * _BPW
    pltpu.sync_copy(idx_hbm.at[pl.ds(base, _BPW)], idx_v)
    _HR = _BPW // 8
    for h in range(8):
        pltpu.async_copy(
            table_hbm.at[idx_v.at[pl.ds(h * _HR, _HR)]],
            rows_v.at[pl.ds(h * _HR, _HR)],
            gs0,
        )

    perms = [
        jax.lax.iota(jnp.int32, 16) ^ jnp.int32(1 << k) for k in range(4)
    ]

    dnums = lax.GatherDimensionNumbers(
        offset_dims=(), collapsed_slice_dims=(0,), start_index_map=(0,)
    )

    def lane_perm(v, p):
        return lax.gather(
            v,
            p[:, None],
            dnums,
            (1,),
            mode=lax.GatherScatterMode.PROMISE_IN_BOUNDS,
        )

    def lane_reduce(v, op):
        for p in perms:
            v = op(v, lane_perm(v, p))
        return v

    _HROWS = _HR

    def half(h, carry):
        lo = h * _HROWS
        pltpu.make_async_copy(
            out_hbm.at[pl.ds(base, _HROWS)],
            rows_v.at[pl.ds(0, _HROWS)],
            gs0,
        ).wait()

        @plsc.parallel_loop(lo, lo + _HROWS, unroll=1)
        def row(r):
            vs = [rows_v[r, pl.ds(16 * j, 16)] for j in range(_NV)]
            acc = jnp.exp(vs[0])
            for j in range(1, _NV):
                acc = acc + jnp.exp(vs[j])
            lse = _ln_f32(lane_reduce(acc, jnp.add))
            for j in range(_NV):
                rows_v[r, pl.ds(16 * j, 16)] = vs[j] - lse

        pltpu.async_copy(
            rows_v.at[pl.ds(lo, _HROWS)],
            out_hbm.at[pl.ds(base + lo, _HROWS)],
            osem,
        )
        return carry

    lax.fori_loop(0, 8, half, 0)
    for _ in range(8):
        pltpu.make_async_copy(
            out_hbm.at[pl.ds(base, _HROWS)],
            rows_v.at[pl.ds(0, _HROWS)],
            osem,
        ).wait()


@jax.jit
def _tabular_policy(state, weights):
    mesh = plsc.VectorSubcoreMesh(core_axis_name="c", subcore_axis_name="s")
    fn = pl.kernel(
        _sc_body,
        out_type=jax.ShapeDtypeStruct((BATCH, NUM_ACTIONS), jnp.float32),
        mesh=mesh,
        scratch_types=[
            pltpu.VMEM((_BPW,), jnp.int32),
            pltpu.VMEM((_BPW, NUM_ACTIONS), jnp.float32),
            pltpu.SemaphoreType.DMA,
            pltpu.SemaphoreType.DMA,
        ],
    )
    return fn(state, weights)


def kernel(state, weights):
    return _tabular_policy(state.astype(jnp.int32), weights)

# --- scband reference (transcript-rebuilt; emitter-appended) ---
"""Pipeline reference for scband-tabular-policy-22763326668943 (READ-ONLY COPY).

The authoritative reference and input builder live on the scoring server;
editing this copy changes nothing except your own understanding.
"""

import jax, jax.numpy as jnp
import numpy as np

NUM_STATES = 100000
NUM_ACTIONS = 128
BATCH = 4096

def setup_inputs(seed: int = 0) -> dict:
    key = jax.random.key(seed)
    k_state, k_w = jax.random.split(key)
    state = jax.random.randint(k_state, (BATCH,), 0, NUM_STATES, dtype=jnp.int64 if jax.config.jax_enable_x64 else jnp.int32)
    # Learned parameter (original init is zeros; use small randn so outputs are non-degenerate)
    weights = jax.random.normal(k_w, (NUM_STATES, NUM_ACTIONS), dtype=jnp.float32) * 0.01
    return {"state": state, "weights": weights}

def reference(state, weights):
    # weights[state] -> per-sample action logits (embedding-style row gather)
    logits = jnp.take(weights, state, axis=0)
    # torch.distributions.Categorical normalizes logits: logits - logsumexp(logits)
    normalized = logits - jax.scipy.special.logsumexp(logits, axis=-1, keepdims=True)
    return normalized

if __name__ == "__main__":
    import jax
    _d = setup_inputs()
    print(jax.jit(kernel)(*tuple(_d.values())))

</pallas_src>

<mosaic_0001>
#map = affine_map<(d0, d1) -> (0)>
#map1 = affine_map<(d0, d1) -> (0, 0)>
module attributes {stable_mosaic.version = 14 : i64} {
  func.func @_sc_body(%arg0: i32, %arg1: i32, %arg2: memref<4096xi32, #tpu.memory_space<hbm>>, %arg3: memref<100000x128xf32, #tpu.memory_space<hbm>>, %arg4: memref<4096x128xf32, #tpu.memory_space<hbm>>, %arg5: memref<128xi32, #tpu.memory_space<vmem>>, %arg6: memref<128x128xf32, #tpu.memory_space<vmem>>, %arg7: memref<!tpu.dma_semaphore, #tpu.memory_space<semaphore_mem>>, %arg8: memref<!tpu.dma_semaphore, #tpu.memory_space<semaphore_mem>>) attributes {dimension_semantics = [#tpu.dimension_semantics<core_parallel>, #tpu.dimension_semantics<subcore_parallel>], iteration_bounds = array<i64: 2, 16>, scalar_prefetch = 0 : i64, scratch_operands = 4 : i64, tpu.core_type = #tpu.core_type<sc_vector_subcore>, window_params = [{transform_indices = #map}, {transform_indices = #map1}, {transform_indices = #map1}]} {
    %mul3A = arith.constant 2 : i32
    %mul3A_0 = arith.muli %arg1, %mul3A : i32
    %add3A = arith.addi %mul3A_0, %arg0 : i32
    %mul3A_1 = arith.constant 128 : i32
    %mul3A_2 = arith.muli %add3A, %mul3A_1 : i32
    "tpu.region"() ({
      %run_scoped3A = tpu.sem_alloc : memref<!tpu.dma_semaphore, #tpu.memory_space<semaphore_mem>>
      %dma_start3A_164 = tpu.memref_slice %arg2[%mul3A_2] : memref<4096xi32, #tpu.memory_space<hbm>> -> memref<128xi32, #tpu.memory_space<hbm>>
      %dma_start3A_165 = tpu.memref_slice %arg2[%mul3A_2] : memref<4096xi32, #tpu.memory_space<hbm>> -> memref<128xi32, #tpu.memory_space<hbm>>
      tpu.enqueue_dma source(%dma_start3A_165 : memref<128xi32, #tpu.memory_space<hbm>>) target(%arg5 : memref<128xi32, #tpu.memory_space<vmem>>) target_semaphore(%run_scoped3A : memref<!tpu.dma_semaphore, #tpu.memory_space<semaphore_mem>>)
      %dma_wait3A_166 = tpu.memref_slice %arg2[%mul3A_2] : memref<4096xi32, #tpu.memory_space<hbm>> -> memref<128xi32, #tpu.memory_space<hbm>>
      %dma_wait3A_167 = tpu.memref_slice %arg2[%mul3A_2] : memref<4096xi32, #tpu.memory_space<hbm>> -> memref<128xi32, #tpu.memory_space<hbm>>
      tpu.wait_dma2 semaphore(%run_scoped3A : memref<!tpu.dma_semaphore, #tpu.memory_space<semaphore_mem>>) src(%dma_wait3A_167 : memref<128xi32, #tpu.memory_space<hbm>>) dst(%arg5 : memref<128xi32, #tpu.memory_space<vmem>>)
      tpu.yield
    }) : () -> ()
    %dma_start3A = arith.constant 0 : i32
    %dma_start3A_3 = arith.constant 0 : i32
    %dma_start3A_4 = tpu.memref_slice %arg6[%dma_start3A, %dma_start3A_3] : memref<128x128xf32, #tpu.memory_space<vmem>> -> memref<16x128xf32, #tpu.memory_space<vmem>>
    %dma_start3A_5 = arith.constant 0 : i32
    %dma_start3A_6 = tpu.memref_slice %arg5[%dma_start3A_5] : memref<128xi32, #tpu.memory_space<vmem>> -> memref<16xi32, #tpu.memory_space<vmem>>
    %dma_start3A_7 = arith.constant 0 : i32
    %dma_start3A_8 = arith.constant 0 : i32
    %dma_start3A_9 = tpu.memref_slice %arg3[%dma_start3A_7, %dma_start3A_8] : memref<100000x128xf32, #tpu.memory_space<hbm>> -> memref<100000x128xf32, #tpu.memory_space<hbm>>
    tpu.enqueue_indirect_dma source(%dma_start3A_9 : memref<100000x128xf32, #tpu.memory_space<hbm>>) target(%dma_start3A_4 : memref<16x128xf32, #tpu.memory_space<vmem>>) offsets(%dma_start3A_6 : memref<16xi32, #tpu.memory_space<vmem>>) semaphore(%arg7 : memref<!tpu.dma_semaphore, #tpu.memory_space<semaphore_mem>>)
    %dma_start3A_10 = arith.constant 16 : i32
    %dma_start3A_11 = arith.constant 0 : i32
    %dma_start3A_12 = tpu.memref_slice %arg6[%dma_start3A_10, %dma_start3A_11] : memref<128x128xf32, #tpu.memory_space<vmem>> -> memref<16x128xf32, #tpu.memory_space<vmem>>
    %dma_start3A_13 = arith.constant 16 : i32
    %dma_start3A_14 = tpu.memref_slice %arg5[%dma_start3A_13] : memref<128xi32, #tpu.memory_space<vmem>> -> memref<16xi32, #tpu.memory_space<vmem>>
    %dma_start3A_15 = arith.constant 0 : i32
    %dma_start3A_16 = arith.constant 0 : i32
    %dma_start3A_17 = tpu.memref_slice %arg3[%dma_start3A_15, %dma_start3A_16] : memref<100000x128xf32, #tpu.memory_space<hbm>> -> memref<100000x128xf32, #tpu.memory_space<hbm>>
    tpu.enqueue_indirect_dma source(%dma_start3A_17 : memref<100000x128xf32, #tpu.memory_space<hbm>>) target(%dma_start3A_12 : memref<16x128xf32, #tpu.memory_space<vmem>>) offsets(%dma_start3A_14 : memref<16xi32, #tpu.memory_space<vmem>>) semaphore(%arg7 : memref<!tpu.dma_semaphore, #tpu.memory_space<semaphore_mem>>)
    %dma_start3A_18 = arith.constant 32 : i32
    %dma_start3A_19 = arith.constant 0 : i32
    %dma_start3A_20 = tpu.memref_slice %arg6[%dma_start3A_18, %dma_start3A_19] : memref<128x128xf32, #tpu.memory_space<vmem>> -> memref<16x128xf32, #tpu.memory_space<vmem>>
    %dma_start3A_21 = arith.constant 32 : i32
    %dma_start3A_22 = tpu.memref_slice %arg5[%dma_start3A_21] : memref<128xi32, #tpu.memory_space<vmem>> -> memref<16xi32, #tpu.memory_space<vmem>>
    %dma_start3A_23 = arith.constant 0 : i32
    %dma_start3A_24 = arith.constant 0 : i32
    %dma_start3A_25 = tpu.memref_slice %arg3[%dma_start3A_23, %dma_start3A_24] : memref<100000x128xf32, #tpu.memory_space<hbm>> -> memref<100000x128xf32, #tpu.memory_space<hbm>>
    tpu.enqueue_indirect_dma source(%dma_start3A_25 : memref<100000x128xf32, #tpu.memory_space<hbm>>) target(%dma_start3A_20 : memref<16x128xf32, #tpu.memory_space<vmem>>) offsets(%dma_start3A_22 : memref<16xi32, #tpu.memory_space<vmem>>) semaphore(%arg7 : memref<!tpu.dma_semaphore, #tpu.memory_space<semaphore_mem>>)
    %dma_start3A_26 = arith.constant 48 : i32
    %dma_start3A_27 = arith.constant 0 : i32
    %dma_start3A_28 = tpu.memref_slice %arg6[%dma_start3A_26, %dma_start3A_27] : memref<128x128xf32, #tpu.memory_space<vmem>> -> memref<16x128xf32, #tpu.memory_space<vmem>>
    %dma_start3A_29 = arith.constant 48 : i32
    %dma_start3A_30 = tpu.memref_slice %arg5[%dma_start3A_29] : memref<128xi32, #tpu.memory_space<vmem>> -> memref<16xi32, #tpu.memory_space<vmem>>
    %dma_start3A_31 = arith.constant 0 : i32
    %dma_start3A_32 = arith.constant 0 : i32
    %dma_start3A_33 = tpu.memref_slice %arg3[%dma_start3A_31, %dma_start3A_32] : memref<100000x128xf32, #tpu.memory_space<hbm>> -> memref<100000x128xf32, #tpu.memory_space<hbm>>
    tpu.enqueue_indirect_dma source(%dma_start3A_33 : memref<100000x128xf32, #tpu.memory_space<hbm>>) target(%dma_start3A_28 : memref<16x128xf32, #tpu.memory_space<vmem>>) offsets(%dma_start3A_30 : memref<16xi32, #tpu.memory_space<vmem>>) semaphore(%arg7 : memref<!tpu.dma_semaphore, #tpu.memory_space<semaphore_mem>>)
    %dma_start3A_34 = arith.constant 64 : i32
    %dma_start3A_35 = arith.constant 0 : i32
    %dma_start3A_36 = tpu.memref_slice %arg6[%dma_start3A_34, %dma_start3A_35] : memref<128x128xf32, #tpu.memory_space<vmem>> -> memref<16x128xf32, #tpu.memory_space<vmem>>
    %dma_start3A_37 = arith.constant 64 : i32
    %dma_start3A_38 = tpu.memref_slice %arg5[%dma_start3A_37] : memref<128xi32, #tpu.memory_space<vmem>> -> memref<16xi32, #tpu.memory_space<vmem>>
    %dma_start3A_39 = arith.constant 0 : i32
    %dma_start3A_40 = arith.constant 0 : i32
    %dma_start3A_41 = tpu.memref_slice %arg3[%dma_start3A_39, %dma_start3A_40] : memref<100000x128xf32, #tpu.memory_space<hbm>> -> memref<100000x128xf32, #tpu.memory_space<hbm>>
    tpu.enqueue_indirect_dma source(%dma_start3A_41 : memref<100000x128xf32, #tpu.memory_space<hbm>>) target(%dma_start3A_36 : memref<16x128xf32, #tpu.memory_space<vmem>>) offsets(%dma_start3A_38 : memref<16xi32, #tpu.memory_space<vmem>>) semaphore(%arg7 : memref<!tpu.dma_semaphore, #tpu.memory_space<semaphore_mem>>)
    %dma_start3A_42 = arith.constant 80 : i32
    %dma_start3A_43 = arith.constant 0 : i32
    %dma_start3A_44 = tpu.memref_slice %arg6[%dma_start3A_42, %dma_start3A_43] : memref<128x128xf32, #tpu.memory_space<vmem>> -> memref<16x128xf32, #tpu.memory_space<vmem>>
    %dma_start3A_45 = arith.constant 80 : i32
    %dma_start3A_46 = tpu.memref_slice %arg5[%dma_start3A_45] : memref<128xi32, #tpu.memory_space<vmem>> -> memref<16xi32, #tpu.memory_space<vmem>>
    %dma_start3A_47 = arith.constant 0 : i32
    %dma_start3A_48 = arith.constant 0 : i32
    %dma_start3A_49 = tpu.memref_slice %arg3[%dma_start3A_47, %dma_start3A_48] : memref<100000x128xf32, #tpu.memory_space<hbm>> -> memref<100000x128xf32, #tpu.memory_space<hbm>>
    tpu.enqueue_indirect_dma source(%dma_start3A_49 : memref<100000x128xf32, #tpu.memory_space<hbm>>) target(%dma_start3A_44 : memref<16x128xf32, #tpu.memory_space<vmem>>) offsets(%dma_start3A_46 : memref<16xi32, #tpu.memory_space<vmem>>) semaphore(%arg7 : memref<!tpu.dma_semaphore, #tpu.memory_space<semaphore_mem>>)
    %dma_start3A_50 = arith.constant 96 : i32
    %dma_start3A_51 = arith.constant 0 : i32
    %dma_start3A_52 = tpu.memref_slice %arg6[%dma_start3A_50, %dma_start3A_51] : memref<128x128xf32, #tpu.memory_space<vmem>> -> memref<16x128xf32, #tpu.memory_space<vmem>>
    %dma_start3A_53 = arith.constant 96 : i32
    %dma_start3A_54 = tpu.memref_slice %arg5[%dma_start3A_53] : memref<128xi32, #tpu.memory_space<vmem>> -> memref<16xi32, #tpu.memory_space<vmem>>
    %dma_start3A_55 = arith.constant 0 : i32
    %dma_start3A_56 = arith.constant 0 : i32
    %dma_start3A_57 = tpu.memref_slice %arg3[%dma_start3A_55, %dma_start3A_56] : memref<100000x128xf32, #tpu.memory_space<hbm>> -> memref<100000x128xf32, #tpu.memory_space<hbm>>
    tpu.enqueue_indirect_dma source(%dma_start3A_57 : memref<100000x128xf32, #tpu.memory_space<hbm>>) target(%dma_start3A_52 : memref<16x128xf32, #tpu.memory_space<vmem>>) offsets(%dma_start3A_54 : memref<16xi32, #tpu.memory_space<vmem>>) semaphore(%arg7 : memref<!tpu.dma_semaphore, #tpu.memory_space<semaphore_mem>>)
    %dma_start3A_58 = arith.constant 112 : i32
    %dma_start3A_59 = arith.constant 0 : i32
    %dma_start3A_60 = tpu.memref_slice %arg6[%dma_start3A_58, %dma_start3A_59] : memref<128x128xf32, #tpu.memory_space<vmem>> -> memref<16x128xf32, #tpu.memory_space<vmem>>
    %dma_start3A_61 = arith.constant 112 : i32
    %dma_start3A_62 = tpu.memref_slice %arg5[%dma_start3A_61] : memref<128xi32, #tpu.memory_space<vmem>> -> memref<16xi32, #tpu.memory_space<vmem>>
    %dma_start3A_63 = arith.constant 0 : i32
    %dma_start3A_64 = arith.constant 0 : i32
    %dma_start3A_65 = tpu.memref_slice %arg3[%dma_start3A_63, %dma_start3A_64] : memref<100000x128xf32, #tpu.memory_space<hbm>> -> memref<100000x128xf32, #tpu.memory_space<hbm>>
    tpu.enqueue_indirect_dma source(%dma_start3A_65 : memref<100000x128xf32, #tpu.memory_space<hbm>>) target(%dma_start3A_60 : memref<16x128xf32, #tpu.memory_space<vmem>>) offsets(%dma_start3A_62 : memref<16xi32, #tpu.memory_space<vmem>>) semaphore(%arg7 : memref<!tpu.dma_semaphore, #tpu.memory_space<semaphore_mem>>)
    %iota3A = tpu.iota {dimensions = array<i32: 0>} : vector<16xi32>
    %xor3A = arith.constant 1 : i32
    %xor3A_66 = vector.broadcast %xor3A : i32 to vector<16xi32>
    %xor3A_67 = arith.xori %iota3A, %xor3A_66 : vector<16xi32>
    %iota3A_68 = tpu.iota {dimensions = array<i32: 0>} : vector<16xi32>
    %xor3A_69 = arith.constant 2 : i32
    %xor3A_70 = vector.broadcast %xor3A_69 : i32 to vector<16xi32>
    %xor3A_71 = arith.xori %iota3A_68, %xor3A_70 : vector<16xi32>
    %iota3A_72 = tpu.iota {dimensions = array<i32: 0>} : vector<16xi32>
    %xor3A_73 = arith.constant 4 : i32
    %xor3A_74 = vector.broadcast %xor3A_73 : i32 to vector<16xi32>
    %xor3A_75 = arith.xori %iota3A_72, %xor3A_74 : vector<16xi32>
    %iota3A_76 = tpu.iota {dimensions = array<i32: 0>} : vector<16xi32>
    %xor3A_77 = arith.constant 8 : i32
    %xor3A_78 = vector.broadcast %xor3A_77 : i32 to vector<16xi32>
    %xor3A_79 = arith.xori %iota3A_76, %xor3A_78 : vector<16xi32>
    %scan3A = arith.constant 0 : i32
    %scan3A_80 = arith.constant 0 : i32
    %scan3A_81 = arith.constant 8 : i32
    %scan3A_82 = arith.addi %scan3A_80, %scan3A_81 : i32
    %scan3A_83 = arith.constant 1 : i32
    scf.for %scan3A_164 = %scan3A_80 to %scan3A_82 step %scan3A_83  : i32 {
      %mul3A_165 = arith.constant 16 : i32
      %mul3A_166 = arith.muli %scan3A_164, %mul3A_165 : i32
      %dma_wait3A_167 = arith.constant 0 : i32
      %dma_wait3A_168 = arith.constant 0 : i32
      %dma_wait3A_169 = tpu.memref_slice %arg6[%dma_wait3A_167, %dma_wait3A_168] : memref<128x128xf32, #tpu.memory_space<vmem>> -> memref<16x128xf32, #tpu.memory_space<vmem>>
      %dma_wait3A_170 = arith.constant 0 : i32
      %dma_wait3A_171 = tpu.memref_slice %arg4[%mul3A_2, %dma_wait3A_170] : memref<4096x128xf32, #tpu.memory_space<hbm>> -> memref<16x128xf32, #tpu.memory_space<hbm>>
      %dma_wait3A_172 = arith.constant 0 : i32
      %dma_wait3A_173 = arith.constant 0 : i32
      %dma_wait3A_174 = tpu.memref_slice %arg6[%dma_wait3A_172, %dma_wait3A_173] : memref<128x128xf32, #tpu.memory_space<vmem>> -> memref<16x128xf32, #tpu.memory_space<vmem>>
      %dma_wait3A_175 = arith.constant 0 : i32
      %dma_wait3A_176 = tpu.memref_slice %arg4[%mul3A_2, %dma_wait3A_175] : memref<4096x128xf32, #tpu.memory_space<hbm>> -> memref<16x128xf32, #tpu.memory_space<hbm>>
      tpu.wait_dma2 semaphore(%arg7 : memref<!tpu.dma_semaphore, #tpu.memory_space<semaphore_mem>>) src(%dma_wait3A_176 : memref<16x128xf32, #tpu.memory_space<hbm>>) dst(%dma_wait3A_174 : memref<16x128xf32, #tpu.memory_space<vmem>>)
      %add3A_177 = arith.constant 16 : i32
      %add3A_178 = arith.addi %mul3A_166, %add3A_177 : i32
      %parallel_loop3A = arith.constant 1 : i32
      scf.for %parallel_loop3A_188 = %mul3A_166 to %add3A_178 step %parallel_loop3A  : i32 {
        %parallel_loop3A_189 = arith.index_cast %parallel_loop3A_188 : i32 to index
        %parallel_loop3A_190 = arith.constant 0 : index
        %parallel_loop3A_191 = tpu.vector_load %arg6[%parallel_loop3A_189, %parallel_loop3A_190] {strides = array<i32>} : memref<128x128xf32, #tpu.memory_space<vmem>>, vector<1x16xf32>,
        %parallel_loop3A_192 = vector.shape_cast %parallel_loop3A_191 : vector<1x16xf32> to vector<16xf32>
        %parallel_loop3A_193 = arith.index_cast %parallel_loop3A_188 : i32 to index
        %parallel_loop3A_194 = arith.constant 16 : index
        %parallel_loop3A_195 = tpu.vector_load %arg6[%parallel_loop3A_193, %parallel_loop3A_194] {strides = array<i32>} : memref<128x128xf32, #tpu.memory_space<vmem>>, vector<1x16xf32>,
        %parallel_loop3A_196 = vector.shape_cast %parallel_loop3A_195 : vector<1x16xf32> to vector<16xf32>
        %parallel_loop3A_197 = arith.index_cast %parallel_loop3A_188 : i32 to index
        %parallel_loop3A_198 = arith.constant 32 : index
        %parallel_loop3A_199 = tpu.vector_load %arg6[%parallel_loop3A_197, %parallel_loop3A_198] {strides = array<i32>} : memref<128x128xf32, #tpu.memory_space<vmem>>, vector<1x16xf32>,
        %parallel_loop3A_200 = vector.shape_cast %parallel_loop3A_199 : vector<1x16xf32> to vector<16xf32>
        %parallel_loop3A_201 = arith.index_cast %parallel_loop3A_188 : i32 to index
        %parallel_loop3A_202 = arith.constant 48 : index
        %parallel_loop3A_203 = tpu.vector_load %arg6[%parallel_loop3A_201, %parallel_loop3A_202] {strides = array<i32>} : memref<128x128xf32, #tpu.memory_space<vmem>>, vector<1x16xf32>,
        %parallel_loop3A_204 = vector.shape_cast %parallel_loop3A_203 : vector<1x16xf32> to vector<16xf32>
        %parallel_loop3A_205 = arith.index_cast %parallel_loop3A_188 : i32 to index
        %parallel_loop3A_206 = arith.constant 64 : index
        %parallel_loop3A_207 = tpu.vector_load %arg6[%parallel_loop3A_205, %parallel_loop3A_206] {strides = array<i32>} : memref<128x128xf32, #tpu.memory_space<vmem>>, vector<1x16xf32>,
        %parallel_loop3A_208 = vector.shape_cast %parallel_loop3A_207 : vector<1x16xf32> to vector<16xf32>
        %parallel_loop3A_209 = arith.index_cast %parallel_loop3A_188 : i32 to index
        %parallel_loop3A_210 = arith.constant 80 : index
        %parallel_loop3A_211 = tpu.vector_load %arg6[%parallel_loop3A_209, %parallel_loop3A_210] {strides = array<i32>} : memref<128x128xf32, #tpu.memory_space<vmem>>, vector<1x16xf32>,
        %parallel_loop3A_212 = vector.shape_cast %parallel_loop3A_211 : vector<1x16xf32> to vector<16xf32>
        %parallel_loop3A_213 = arith.index_cast %parallel_loop3A_188 : i32 to index
        %parallel_loop3A_214 = arith.constant 96 : index
        %parallel_loop3A_215 = tpu.vector_load %arg6[%parallel_loop3A_213, %parallel_loop3A_214] {strides = array<i32>} : memref<128x128xf32, #tpu.memory_space<vmem>>, vector<1x16xf32>,
        %parallel_loop3A_216 = vector.shape_cast %parallel_loop3A_215 : vector<1x16xf32> to vector<16xf32>
        %parallel_loop3A_217 = arith.index_cast %parallel_loop3A_188 : i32 to index
        %parallel_loop3A_218 = arith.constant 112 : index
        %parallel_loop3A_219 = tpu.vector_load %arg6[%parallel_loop3A_217, %parallel_loop3A_218] {strides = array<i32>} : memref<128x128xf32, #tpu.memory_space<vmem>>, vector<1x16xf32>,
        %parallel_loop3A_220 = vector.shape_cast %parallel_loop3A_219 : vector<1x16xf32> to vector<16xf32>
        %parallel_loop3A_221 = math.exp %parallel_loop3A_192 : vector<16xf32>
        %parallel_loop3A_222 = math.exp %parallel_loop3A_196 : vector<16xf32>
        %parallel_loop3A_223 = arith.addf %parallel_loop3A_221, %parallel_loop3A_222 : vector<16xf32>
        %parallel_loop3A_224 = math.exp %parallel_loop3A_200 : vector<16xf32>
        %parallel_loop3A_225 = arith.addf %parallel_loop3A_223, %parallel_loop3A_224 : vector<16xf32>
        %parallel_loop3A_226 = math.exp %parallel_loop3A_204 : vector<16xf32>
        %parallel_loop3A_227 = arith.addf %parallel_loop3A_225, %parallel_loop3A_226 : vector<16xf32>
        %parallel_loop3A_228 = math.exp %parallel_loop3A_208 : vector<16xf32>
        %parallel_loop3A_229 = arith.addf %parallel_loop3A_227, %parallel_loop3A_228 : vector<16xf32>
        %parallel_loop3A_230 = math.exp %parallel_loop3A_212 : vector<16xf32>
        %parallel_loop3A_231 = arith.addf %parallel_loop3A_229, %parallel_loop3A_230 : vector<16xf32>
        %parallel_loop3A_232 = math.exp %parallel_loop3A_216 : vector<16xf32>
        %parallel_loop3A_233 = arith.addf %parallel_loop3A_231, %parallel_loop3A_232 : vector<16xf32>
        %parallel_loop3A_234 = math.exp %parallel_loop3A_220 : vector<16xf32>
        %parallel_loop3A_235 = arith.addf %parallel_loop3A_233, %parallel_loop3A_234 : vector<16xf32>
        %parallel_loop3A_236 = vector.shape_cast %xor3A_67 : vector<16xi32> to vector<16x1xi32>
        %parallel_loop3A_237 = vector.shape_cast %parallel_loop3A_236 : vector<16x1xi32> to vector<16xi32>
        %parallel_loop3A_238 = tpu.dynamic_gather %parallel_loop3A_235[%parallel_loop3A_237] in [0] : vector<16xf32>, vector<16xi32> -> vector<16xf32>
        %parallel_loop3A_239 = arith.addf %parallel_loop3A_235, %parallel_loop3A_238 : vector<16xf32>
        %parallel_loop3A_240 = vector.shape_cast %xor3A_71 : vector<16xi32> to vector<16x1xi32>
        %parallel_loop3A_241 = vector.shape_cast %parallel_loop3A_240 : vector<16x1xi32> to vector<16xi32>
        %parallel_loop3A_242 = tpu.dynamic_gather %parallel_loop3A_239[%parallel_loop3A_241] in [0] : vector<16xf32>, vector<16xi32> -> vector<16xf32>
        %parallel_loop3A_243 = arith.addf %parallel_loop3A_239, %parallel_loop3A_242 : vector<16xf32>
        %parallel_loop3A_244 = vector.shape_cast %xor3A_75 : vector<16xi32> to vector<16x1xi32>
        %parallel_loop3A_245 = vector.shape_cast %parallel_loop3A_244 : vector<16x1xi32> to vector<16xi32>
        %parallel_loop3A_246 = tpu.dynamic_gather %parallel_loop3A_243[%parallel_loop3A_245] in [0] : vector<16xf32>, vector<16xi32> -> vector<16xf32>
        %parallel_loop3A_247 = arith.addf %parallel_loop3A_243, %parallel_loop3A_246 : vector<16xf32>
        %parallel_loop3A_248 = vector.shape_cast %xor3A_79 : vector<16xi32> to vector<16x1xi32>
        %parallel_loop3A_249 = vector.shape_cast %parallel_loop3A_248 : vector<16x1xi32> to vector<16xi32>
        %parallel_loop3A_250 = tpu.dynamic_gather %parallel_loop3A_247[%parallel_loop3A_249] in [0] : vector<16xf32>, vector<16xi32> -> vector<16xf32>
        %parallel_loop3A_251 = arith.addf %parallel_loop3A_247, %parallel_loop3A_250 : vector<16xf32>
        %parallel_loop3A_252 = tpu.bitcast %parallel_loop3A_251 : vector<16xf32> -> vector<16xi32>
        %parallel_loop3A_253 = arith.constant 23 : i32
        %parallel_loop3A_254 = vector.broadcast %parallel_loop3A_253 : i32 to vector<16xi32>
        %parallel_loop3A_255 = arith.shrsi %parallel_loop3A_252, %parallel_loop3A_254 : vector<16xi32>
        %parallel_loop3A_256 = arith.constant 127 : i32
        %parallel_loop3A_257 = vector.broadcast %parallel_loop3A_256 : i32 to vector<16xi32>
        %parallel_loop3A_258 = arith.subi %parallel_loop3A_255, %parallel_loop3A_257 : vector<16xi32>
        %parallel_loop3A_259 = arith.constant 8388607 : i32
        %parallel_loop3A_260 = vector.broadcast %parallel_loop3A_259 : i32 to vector<16xi32>
        %parallel_loop3A_261 = arith.andi %parallel_loop3A_252, %parallel_loop3A_260 : vector<16xi32>
        %parallel_loop3A_262 = arith.constant 1065353216 : i32
        %parallel_loop3A_263 = vector.broadcast %parallel_loop3A_262 : i32 to vector<16xi32>
        %parallel_loop3A_264 = arith.ori %parallel_loop3A_261, %parallel_loop3A_263 : vector<16xi32>
        %parallel_loop3A_265 = tpu.bitcast %parallel_loop3A_264 : vector<16xi32> -> vector<16xf32>
        %parallel_loop3A_266 = arith.sitofp %parallel_loop3A_258 : vector<16xi32> to vector<16xf32>
        %parallel_loop3A_267 = arith.constant 1.000000e+00 : f32
        %parallel_loop3A_268 = vector.broadcast %parallel_loop3A_267 : f32 to vector<16xf32>
        %parallel_loop3A_269 = arith.subf %parallel_loop3A_265, %parallel_loop3A_268 : vector<16xf32>
        %parallel_loop3A_270 = arith.constant 1.000000e+00 : f32
        %parallel_loop3A_271 = vector.broadcast %parallel_loop3A_270 : f32 to vector<16xf32>
        %parallel_loop3A_272 = arith.addf %parallel_loop3A_265, %parallel_loop3A_271 : vector<16xf32>
        %parallel_loop3A_273 = arith.divf %parallel_loop3A_269, %parallel_loop3A_272 : vector<16xf32>
        %parallel_loop3A_274 = arith.mulf %parallel_loop3A_273, %parallel_loop3A_273 : vector<16xf32>
        %parallel_loop3A_275 = arith.constant 4.000000e-01 : f32
        %parallel_loop3A_276 = vector.broadcast %parallel_loop3A_275 : f32 to vector<16xf32>
        %parallel_loop3A_277 = arith.mulf %parallel_loop3A_274, %parallel_loop3A_276 : vector<16xf32>
        %parallel_loop3A_278 = arith.constant 0.666666686 : f32
        %parallel_loop3A_279 = vector.broadcast %parallel_loop3A_278 : f32 to vector<16xf32>
        %parallel_loop3A_280 = arith.addf %parallel_loop3A_279, %parallel_loop3A_277 : vector<16xf32>
        %parallel_loop3A_281 = arith.mulf %parallel_loop3A_274, %parallel_loop3A_280 : vector<16xf32>
        %parallel_loop3A_282 = arith.constant 2.000000e+00 : f32
        %parallel_loop3A_283 = vector.broadcast %parallel_loop3A_282 : f32 to vector<16xf32>
        %parallel_loop3A_284 = arith.addf %parallel_loop3A_283, %parallel_loop3A_281 : vector<16xf32>
        %parallel_loop3A_285 = arith.mulf %parallel_loop3A_273, %parallel_loop3A_284 : vector<16xf32>
        %parallel_loop3A_286 = arith.constant 0.693147182 : f32
        %parallel_loop3A_287 = vector.broadcast %parallel_loop3A_286 : f32 to vector<16xf32>
        %parallel_loop3A_288 = arith.mulf %parallel_loop3A_266, %parallel_loop3A_287 : vector<16xf32>
        %parallel_loop3A_289 = arith.addf %parallel_loop3A_288, %parallel_loop3A_285 : vector<16xf32>
        %parallel_loop3A_290 = arith.subf %parallel_loop3A_192, %parallel_loop3A_289 : vector<16xf32>
        %parallel_loop3A_291 = arith.index_cast %parallel_loop3A_188 : i32 to index
        %parallel_loop3A_292 = arith.constant 0 : index
        %parallel_loop3A_293 = tpu.vector_load %arg6[%parallel_loop3A_291, %parallel_loop3A_292] {strides = array<i32>} : memref<128x128xf32, #tpu.memory_space<vmem>>, vector<1x16xf32>,
        %parallel_loop3A_294 = vector.shape_cast %parallel_loop3A_293 : vector<1x16xf32> to vector<16xf32>
        %parallel_loop3A_295 = vector.shape_cast %parallel_loop3A_290 : vector<16xf32> to vector<1x16xf32>
        tpu.vector_store %arg6[%parallel_loop3A_291, %parallel_loop3A_292], %parallel_loop3A_295 {strides = array<i32>} : memref<128x128xf32, #tpu.memory_space<vmem>>, vector<1x16xf32>,
        %parallel_loop3A_296 = arith.subf %parallel_loop3A_196, %parallel_loop3A_289 : vector<16xf32>
        %parallel_loop3A_297 = arith.index_cast %parallel_loop3A_188 : i32 to index
        %parallel_loop3A_298 = arith.constant 16 : index
        %parallel_loop3A_299 = tpu.vector_load %arg6[%parallel_loop3A_297, %parallel_loop3A_298] {strides = array<i32>} : memref<128x128xf32, #tpu.memory_space<vmem>>, vector<1x16xf32>,
        %parallel_loop3A_300 = vector.shape_cast %parallel_loop3A_299 : vector<1x16xf32> to vector<16xf32>
        %parallel_loop3A_301 = vector.shape_cast %parallel_loop3A_296 : vector<16xf32> to vector<1x16xf32>
        tpu.vector_store %arg6[%parallel_loop3A_297, %parallel_loop3A_298], %parallel_loop3A_301 {strides = array<i32>} : memref<128x128xf32, #tpu.memory_space<vmem>>, vector<1x16xf32>,
        %parallel_loop3A_302 = arith.subf %parallel_loop3A_200, %parallel_loop3A_289 : vector<16xf32>
        %parallel_loop3A_303 = arith.index_cast %parallel_loop3A_188 : i32 to index
        %parallel_loop3A_304 = arith.constant 32 : index
        %parallel_loop3A_305 = tpu.vector_load %arg6[%parallel_loop3A_303, %parallel_loop3A_304] {strides = array<i32>} : memref<128x128xf32, #tpu.memory_space<vmem>>, vector<1x16xf32>,
        %parallel_loop3A_306 = vector.shape_cast %parallel_loop3A_305 : vector<1x16xf32> to vector<16xf32>
        %parallel_loop3A_307 = vector.shape_cast %parallel_loop3A_302 : vector<16xf32> to vector<1x16xf32>
        tpu.vector_store %arg6[%parallel_loop3A_303, %parallel_loop3A_304], %parallel_loop3A_307 {strides = array<i32>} : memref<128x128xf32, #tpu.memory_space<vmem>>, vector<1x16xf32>,
        %parallel_loop3A_308 = arith.subf %parallel_loop3A_204, %parallel_loop3A_289 : vector<16xf32>
        %parallel_loop3A_309 = arith.index_cast %parallel_loop3A_188 : i32 to index
        %parallel_loop3A_310 = arith.constant 48 : index
        %parallel_loop3A_311 = tpu.vector_load %arg6[%parallel_loop3A_309, %parallel_loop3A_310] {strides = array<i32>} : memref<128x128xf32, #tpu.memory_space<vmem>>, vector<1x16xf32>,
        %parallel_loop3A_312 = vector.shape_cast %parallel_loop3A_311 : vector<1x16xf32> to vector<16xf32>
        %parallel_loop3A_313 = vector.shape_cast %parallel_loop3A_308 : vector<16xf32> to vector<1x16xf32>
        tpu.vector_store %arg6[%parallel_loop3A_309, %parallel_loop3A_310], %parallel_loop3A_313 {strides = array<i32>} : memref<128x128xf32, #tpu.memory_space<vmem>>, vector<1x16xf32>,
        %parallel_loop3A_314 = arith.subf %parallel_loop3A_208, %parallel_loop3A_289 : vector<16xf32>
        %parallel_loop3A_315 = arith.index_cast %parallel_loop3A_188 : i32 to index
        %parallel_loop3A_316 = arith.constant 64 : index
        %parallel_loop3A_317 = tpu.vector_load %arg6[%parallel_loop3A_315, %parallel_loop3A_316] {strides = array<i32>} : memref<128x128xf32, #tpu.memory_space<vmem>>, vector<1x16xf32>,
        %parallel_loop3A_318 = vector.shape_cast %parallel_loop3A_317 : vector<1x16xf32> to vector<16xf32>
        %parallel_loop3A_319 = vector.shape_cast %parallel_loop3A_314 : vector<16xf32> to vector<1x16xf32>
        tpu.vector_store %arg6[%parallel_loop3A_315, %parallel_loop3A_316], %parallel_loop3A_319 {strides = array<i32>} : memref<128x128xf32, #tpu.memory_space<vmem>>, vector<1x16xf32>,
        %parallel_loop3A_320 = arith.subf %parallel_loop3A_212, %parallel_loop3A_289 : vector<16xf32>
        %parallel_loop3A_321 = arith.index_cast %parallel_loop3A_188 : i32 to index
        %parallel_loop3A_322 = arith.constant 80 : index
        %parallel_loop3A_323 = tpu.vector_load %arg6[%parallel_loop3A_321, %parallel_loop3A_322] {strides = array<i32>} : memref<128x128xf32, #tpu.memory_space<vmem>>, vector<1x16xf32>,
        %parallel_loop3A_324 = vector.shape_cast %parallel_loop3A_323 : vector<1x16xf32> to vector<16xf32>
        %parallel_loop3A_325 = vector.shape_cast %parallel_loop3A_320 : vector<16xf32> to vector<1x16xf32>
        tpu.vector_store %arg6[%parallel_loop3A_321, %parallel_loop3A_322], %parallel_loop3A_325 {strides = array<i32>} : memref<128x128xf32, #tpu.memory_space<vmem>>, vector<1x16xf32>,
        %parallel_loop3A_326 = arith.subf %parallel_loop3A_216, %parallel_loop3A_289 : vector<16xf32>
        %parallel_loop3A_327 = arith.index_cast %parallel_loop3A_188 : i32 to index
        %parallel_loop3A_328 = arith.constant 96 : index
        %parallel_loop3A_329 = tpu.vector_load %arg6[%parallel_loop3A_327, %parallel_loop3A_328] {strides = array<i32>} : memref<128x128xf32, #tpu.memory_space<vmem>>, vector<1x16xf32>,
        %parallel_loop3A_330 = vector.shape_cast %parallel_loop3A_329 : vector<1x16xf32> to vector<16xf32>
        %parallel_loop3A_331 = vector.shape_cast %parallel_loop3A_326 : vector<16xf32> to vector<1x16xf32>
        tpu.vector_store %arg6[%parallel_loop3A_327, %parallel_loop3A_328], %parallel_loop3A_331 {strides = array<i32>} : memref<128x128xf32, #tpu.memory_space<vmem>>, vector<1x16xf32>,
        %parallel_loop3A_332 = arith.subf %parallel_loop3A_220, %parallel_loop3A_289 : vector<16xf32>
        %parallel_loop3A_333 = arith.index_cast %parallel_loop3A_188 : i32 to index
        %parallel_loop3A_334 = arith.constant 112 : index
        %parallel_loop3A_335 = tpu.vector_load %arg6[%parallel_loop3A_333, %parallel_loop3A_334] {strides = array<i32>} : memref<128x128xf32, #tpu.memory_space<vmem>>, vector<1x16xf32>,
        %parallel_loop3A_336 = vector.shape_cast %parallel_loop3A_335 : vector<1x16xf32> to vector<16xf32>
        %parallel_loop3A_337 = vector.shape_cast %parallel_loop3A_332 : vector<16xf32> to vector<1x16xf32>
        tpu.vector_store %arg6[%parallel_loop3A_333, %parallel_loop3A_334], %parallel_loop3A_337 {strides = array<i32>} : memref<128x128xf32, #tpu.memory_space<vmem>>, vector<1x16xf32>,
      } {sc.loop_unroll_factor = 1 : i64, sc.parallel_access}
      %add3A_179 = arith.addi %mul3A_2, %mul3A_166 : i32
      %dma_start3A_180 = arith.constant 0 : i32
      %dma_start3A_181 = tpu.memref_slice %arg6[%mul3A_166, %dma_start3A_180] : memref<128x128xf32, #tpu.memory_space<vmem>> -> memref<16x128xf32, #tpu.memory_space<vmem>>
      %dma_start3A_182 = arith.constant 0 : i32
      %dma_start3A_183 = tpu.memref_slice %arg4[%add3A_179, %dma_start3A_182] : memref<4096x128xf32, #tpu.memory_space<hbm>> -> memref<16x128xf32, #tpu.memory_space<hbm>>
      %dma_start3A_184 = arith.constant 0 : i32
      %dma_start3A_185 = tpu.memref_slice %arg4[%add3A_179, %dma_start3A_184] : memref<4096x128xf32, #tpu.memory_space<hbm>> -> memref<16x128xf32, #tpu.memory_space<hbm>>
      %dma_start3A_186 = arith.constant 0 : i32
      %dma_start3A_187 = tpu.memref_slice %arg6[%mul3A_166, %dma_start3A_186] : memref<128x128xf32, #tpu.memory_space<vmem>> -> memref<16x128xf32, #tpu.memory_space<vmem>>
      tpu.enqueue_dma source(%dma_start3A_187 : memref<16x128xf32, #tpu.memory_space<vmem>>) target(%dma_start3A_185 : memref<16x128xf32, #tpu.memory_space<hbm>>) target_semaphore(%arg8 : memref<!tpu.dma_semaphore, #tpu.memory_space<semaphore_mem>>)
    }
    %scan3A_84 = arith.constant 8 : i32
    %dma_wait3A = arith.constant 0 : i32
    %dma_wait3A_85 = arith.constant 0 : i32
    %dma_wait3A_86 = tpu.memref_slice %arg6[%dma_wait3A, %dma_wait3A_85] : memref<128x128xf32, #tpu.memory_space<vmem>> -> memref<16x128xf32, #tpu.memory_space<vmem>>
    %dma_wait3A_87 = arith.constant 0 : i32
    %dma_wait3A_88 = tpu.memref_slice %arg4[%mul3A_2, %dma_wait3A_87] : memref<4096x128xf32, #tpu.memory_space<hbm>> -> memref<16x128xf32, #tpu.memory_space<hbm>>
    %dma_wait3A_89 = arith.constant 0 : i32
    %dma_wait3A_90 = arith.constant 0 : i32
    %dma_wait3A_91 = tpu.memref_slice %arg6[%dma_wait3A_89, %dma_wait3A_90] : memref<128x128xf32, #tpu.memory_space<vmem>> -> memref<16x128xf32, #tpu.memory_space<vmem>>
    %dma_wait3A_92 = arith.constant 0 : i32
    %dma_wait3A_93 = tpu.memref_slice %arg4[%mul3A_2, %dma_wait3A_92] : memref<4096x128xf32, #tpu.memory_space<hbm>> -> memref<16x128xf32, #tpu.memory_space<hbm>>
    tpu.wait_dma2 semaphore(%arg8 : memref<!tpu.dma_semaphore, #tpu.memory_space<semaphore_mem>>) src(%dma_wait3A_93 : memref<16x128xf32, #tpu.memory_space<hbm>>) dst(%dma_wait3A_91 : memref<16x128xf32, #tpu.memory_space<vmem>>)
    %dma_wait3A_94 = arith.constant 0 : i32
    %dma_wait3A_95 = arith.constant 0 : i32
    %dma_wait3A_96 = tpu.memref_slice %arg6[%dma_wait3A_94, %dma_wait3A_95] : memref<128x128xf32, #tpu.memory_space<vmem>> -> memref<16x128xf32, #tpu.memory_space<vmem>>
    %dma_wait3A_97 = arith.constant 0 : i32
    %dma_wait3A_98 = tpu.memref_slice %arg4[%mul3A_2, %dma_wait3A_97] : memref<4096x128xf32, #tpu.memory_space<hbm>> -> memref<16x128xf32, #tpu.memory_space<hbm>>
    %dma_wait3A_99 = arith.constant 0 : i32
    %dma_wait3A_100 = arith.constant 0 : i32
    %dma_wait3A_101 = tpu.memref_slice %arg6[%dma_wait3A_99, %dma_wait3A_100] : memref<128x128xf32, #tpu.memory_space<vmem>> -> memref<16x128xf32, #tpu.memory_space<vmem>>
    %dma_wait3A_102 = arith.constant 0 : i32
    %dma_wait3A_103 = tpu.memref_slice %arg4[%mul3A_2, %dma_wait3A_102] : memref<4096x128xf32, #tpu.memory_space<hbm>> -> memref<16x128xf32, #tpu.memory_space<hbm>>
    tpu.wait_dma2 semaphore(%arg8 : memref<!tpu.dma_semaphore, #tpu.memory_space<semaphore_mem>>) src(%dma_wait3A_103 : memref<16x128xf32, #tpu.memory_space<hbm>>) dst(%dma_wait3A_101 : memref<16x128xf32, #tpu.memory_space<vmem>>)
    %dma_wait3A_104 = arith.constant 0 : i32
    %dma_wait3A_105 = arith.constant 0 : i32
    %dma_wait3A_106 = tpu.memref_slice %arg6[%dma_wait3A_104, %dma_wait3A_105] : memref<128x128xf32, #tpu.memory_space<vmem>> -> memref<16x128xf32, #tpu.memory_space<vmem>>
    %dma_wait3A_107 = arith.constant 0 : i32
    %dma_wait3A_108 = tpu.memref_slice %arg4[%mul3A_2, %dma_wait3A_107] : memref<4096x128xf32, #tpu.memory_space<hbm>> -> memref<16x128xf32, #tpu.memory_space<hbm>>
    %dma_wait3A_109 = arith.constant 0 : i32
    %dma_wait3A_110 = arith.constant 0 : i32
    %dma_wait3A_111 = tpu.memref_slice %arg6[%dma_wait3A_109, %dma_wait3A_110] : memref<128x128xf32, #tpu.memory_space<vmem>> -> memref<16x128xf32, #tpu.memory_space<vmem>>
    %dma_wait3A_112 = arith.constant 0 : i32
    %dma_wait3A_113 = tpu.memref_slice %arg4[%mul3A_2, %dma_wait3A_112] : memref<4096x128xf32, #tpu.memory_space<hbm>> -> memref<16x128xf32, #tpu.memory_space<hbm>>
    tpu.wait_dma2 semaphore(%arg8 : memref<!tpu.dma_semaphore, #tpu.memory_space<semaphore_mem>>) src(%dma_wait3A_113 : memref<16x128xf32, #tpu.memory_space<hbm>>) dst(%dma_wait3A_111 : memref<16x128xf32, #tpu.memory_space<vmem>>)
    %dma_wait3A_114 = arith.constant 0 : i32
    %dma_wait3A_115 = arith.constant 0 : i32
    %dma_wait3A_116 = tpu.memref_slice %arg6[%dma_wait3A_114, %dma_wait3A_115] : memref<128x128xf32, #tpu.memory_space<vmem>> -> memref<16x128xf32, #tpu.memory_space<vmem>>
    %dma_wait3A_117 = arith.constant 0 : i32
    %dma_wait3A_118 = tpu.memref_slice %arg4[%mul3A_2, %dma_wait3A_117] : memref<4096x128xf32, #tpu.memory_space<hbm>> -> memref<16x128xf32, #tpu.memory_space<hbm>>
    %dma_wait3A_119 = arith.constant 0 : i32
    %dma_wait3A_120 = arith.constant 0 : i32
    %dma_wait3A_121 = tpu.memref_slice %arg6[%dma_wait3A_119, %dma_wait3A_120] : memref<128x128xf32, #tpu.memory_space<vmem>> -> memref<16x128xf32, #tpu.memory_space<vmem>>
    %dma_wait3A_122 = arith.constant 0 : i32
    %dma_wait3A_123 = tpu.memref_slice %arg4[%mul3A_2, %dma_wait3A_122] : memref<4096x128xf32, #tpu.memory_space<hbm>> -> memref<16x128xf32, #tpu.memory_space<hbm>>
    tpu.wait_dma2 semaphore(%arg8 : memref<!tpu.dma_semaphore, #tpu.memory_space<semaphore_mem>>) src(%dma_wait3A_123 : memref<16x128xf32, #tpu.memory_space<hbm>>) dst(%dma_wait3A_121 : memref<16x128xf32, #tpu.memory_space<vmem>>)
    %dma_wait3A_124 = arith.constant 0 : i32
    %dma_wait3A_125 = arith.constant 0 : i32
    %dma_wait3A_126 = tpu.memref_slice %arg6[%dma_wait3A_124, %dma_wait3A_125] : memref<128x128xf32, #tpu.memory_space<vmem>> -> memref<16x128xf32, #tpu.memory_space<vmem>>
    %dma_wait3A_127 = arith.constant 0 : i32
    %dma_wait3A_128 = tpu.memref_slice %arg4[%mul3A_2, %dma_wait3A_127] : memref<4096x128xf32, #tpu.memory_space<hbm>> -> memref<16x128xf32, #tpu.memory_space<hbm>>
    %dma_wait3A_129 = arith.constant 0 : i32
    %dma_wait3A_130 = arith.constant 0 : i32
    %dma_wait3A_131 = tpu.memref_slice %arg6[%dma_wait3A_129, %dma_wait3A_130] : memref<128x128xf32, #tpu.memory_space<vmem>> -> memref<16x128xf32, #tpu.memory_space<vmem>>
    %dma_wait3A_132 = arith.constant 0 : i32
    %dma_wait3A_133 = tpu.memref_slice %arg4[%mul3A_2, %dma_wait3A_132] : memref<4096x128xf32, #tpu.memory_space<hbm>> -> memref<16x128xf32, #tpu.memory_space<hbm>>
    tpu.wait_dma2 semaphore(%arg8 : memref<!tpu.dma_semaphore, #tpu.memory_space<semaphore_mem>>) src(%dma_wait3A_133 : memref<16x128xf32, #tpu.memory_space<hbm>>) dst(%dma_wait3A_131 : memref<16x128xf32, #tpu.memory_space<vmem>>)
    %dma_wait3A_134 = arith.constant 0 : i32
    %dma_wait3A_135 = arith.constant 0 : i32
    %dma_wait3A_136 = tpu.memref_slice %arg6[%dma_wait3A_134, %dma_wait3A_135] : memref<128x128xf32, #tpu.memory_space<vmem>> -> memref<16x128xf32, #tpu.memory_space<vmem>>
    %dma_wait3A_137 = arith.constant 0 : i32
    %dma_wait3A_138 = tpu.memref_slice %arg4[%mul3A_2, %dma_wait3A_137] : memref<4096x128xf32, #tpu.memory_space<hbm>> -> memref<16x128xf32, #tpu.memory_space<hbm>>
    %dma_wait3A_139 = arith.constant 0 : i32
    %dma_wait3A_140 = arith.constant 0 : i32
    %dma_wait3A_141 = tpu.memref_slice %arg6[%dma_wait3A_139, %dma_wait3A_140] : memref<128x128xf32, #tpu.memory_space<vmem>> -> memref<16x128xf32, #tpu.memory_space<vmem>>
    %dma_wait3A_142 = arith.constant 0 : i32
    %dma_wait3A_143 = tpu.memref_slice %arg4[%mul3A_2, %dma_wait3A_142] : memref<4096x128xf32, #tpu.memory_space<hbm>> -> memref<16x128xf32, #tpu.memory_space<hbm>>
    tpu.wait_dma2 semaphore(%arg8 : memref<!tpu.dma_semaphore, #tpu.memory_space<semaphore_mem>>) src(%dma_wait3A_143 : memref<16x128xf32, #tpu.memory_space<hbm>>) dst(%dma_wait3A_141 : memref<16x128xf32, #tpu.memory_space<vmem>>)
    %dma_wait3A_144 = arith.constant 0 : i32
    %dma_wait3A_145 = arith.constant 0 : i32
    %dma_wait3A_146 = tpu.memref_slice %arg6[%dma_wait3A_144, %dma_wait3A_145] : memref<128x128xf32, #tpu.memory_space<vmem>> -> memref<16x128xf32, #tpu.memory_space<vmem>>
    %dma_wait3A_147 = arith.constant 0 : i32
    %dma_wait3A_148 = tpu.memref_slice %arg4[%mul3A_2, %dma_wait3A_147] : memref<4096x128xf32, #tpu.memory_space<hbm>> -> memref<16x128xf32, #tpu.memory_space<hbm>>
    %dma_wait3A_149 = arith.constant 0 : i32
    %dma_wait3A_150 = arith.constant 0 : i32
    %dma_wait3A_151 = tpu.memref_slice %arg6[%dma_wait3A_149, %dma_wait3A_150] : memref<128x128xf32, #tpu.memory_space<vmem>> -> memref<16x128xf32, #tpu.memory_space<vmem>>
    %dma_wait3A_152 = arith.constant 0 : i32
    %dma_wait3A_153 = tpu.memref_slice %arg4[%mul3A_2, %dma_wait3A_152] : memref<4096x128xf32, #tpu.memory_space<hbm>> -> memref<16x128xf32, #tpu.memory_space<hbm>>
    tpu.wait_dma2 semaphore(%arg8 : memref<!tpu.dma_semaphore, #tpu.memory_space<semaphore_mem>>) src(%dma_wait3A_153 : memref<16x128xf32, #tpu.memory_space<hbm>>) dst(%dma_wait3A_151 : memref<16x128xf32, #tpu.memory_space<vmem>>)
    %dma_wait3A_154 = arith.constant 0 : i32
    %dma_wait3A_155 = arith.constant 0 : i32
    %dma_wait3A_156 = tpu.memref_slice %arg6[%dma_wait3A_154, %dma_wait3A_155] : memref<128x128xf32, #tpu.memory_space<vmem>> -> memref<16x128xf32, #tpu.memory_space<vmem>>
    %dma_wait3A_157 = arith.constant 0 : i32
    %dma_wait3A_158 = tpu.memref_slice %arg4[%mul3A_2, %dma_wait3A_157] : memref<4096x128xf32, #tpu.memory_space<hbm>> -> memref<16x128xf32, #tpu.memory_space<hbm>>
    %dma_wait3A_159 = arith.constant 0 : i32
    %dma_wait3A_160 = arith.constant 0 : i32
    %dma_wait3A_161 = tpu.memref_slice %arg6[%dma_wait3A_159, %dma_wait3A_160] : memref<128x128xf32, #tpu.memory_space<vmem>> -> memref<16x128xf32, #tpu.memory_space<vmem>>
    %dma_wait3A_162 = arith.constant 0 : i32
    %dma_wait3A_163 = tpu.memref_slice %arg4[%mul3A_2, %dma_wait3A_162] : memref<4096x128xf32, #tpu.memory_space<hbm>> -> memref<16x128xf32, #tpu.memory_space<hbm>>
    tpu.wait_dma2 semaphore(%arg8 : memref<!tpu.dma_semaphore, #tpu.memory_space<semaphore_mem>>) src(%dma_wait3A_163 : memref<16x128xf32, #tpu.memory_space<hbm>>) dst(%dma_wait3A_161 : memref<16x128xf32, #tpu.memory_space<vmem>>)
    return
  }
}

</mosaic_0001>

<sc_bundles>
// kernel: _tabular_policy.3.cloned.1.call-start
scs
__scs_entry_jumppad:
0x0: {  	(pc) =	sbr.rel $0x88, $3  }
0x1: {  	(tag) =	ssettag $0x0;
	lr =	simm.s32 $0x1  }
0x2: {  	[smem:$0x3F9F] =	sst lr;
	_ =	strace $0xD0000000  }
0x3: {  	_ = 	snop  }
0x4: {  	_ = 	snop  }
0x5: {  	_ = 	snop  }
0x6: {  	_ = 	snop  }
0x7: {  	_ = 	snop  }
__scs_overlays_trampoline_lowered:
0x8: {  	[smem:$0x3FAE] =	sst s0  }
0x9: {  	[smem:$0x3FAF] =	sst s1  }
0xa: {  	[smem:$0x3FB0] =	sst s2  }
0xb: {  	[smem:$0x3FB1] =	sst s3  }
0xc: {  	[smem:$0x3FB2] =	sst s4  }
0xd: {  	[smem:$0x3FB3] =	sst s5  }
0xe: {  	[smem:$0x3FB4] =	sst s6  }
0xf: {  	[smem:$0x3FB5] =	sst s7  }
0x10: {  	[smem:$0x3FB6] =	sst s8  }
0x11: {  	[smem:$0x3FB7] =	sst s9;
	s0 =	simm.s32 @!p0 $0x0  }
0x12: {  	s1 =	sld [smem:$0x3F9D];
	s0 =	simm.s32 @p0 $0x1  }
0x13: {  	[smem:$0x3FB8] =	sst s0;
	s0 =	simm.s32 @!p1 $0x0  }
0x14: {  	s2 =	sld [smem:$0x3F9C];
	s0 =	simm.s32 @p1 $0x1  }
0x15: {  	[smem:$0x3FB9] =	sst s0;
	s0 =	simm.s32 @!p2 $0x0  }
0x16: {  	s3 =	sld [smem:$0x3FDB];
	s0 =	simm.s32 @p2 $0x1  }
0x17: {  	s4 =	simm.s32 $0x1BF5;
	[smem:$0x3FBB] =	sst s0  }
0x18: {  	s0 =	sld [smem:$0x3F9E];
	_ =	swait.ge [sflag:s4], $0x0  }
0x19: {  	s7 =	sld [smem:$0x3F9F]  }
0x1a: {  	s8 =	sadd.s32 $0xFFFFE003, lr  }
0x1b: {  	s9 =	sadd.s32 $0xFFFFFEF7, lr;
	s5 =	simm.s32 $0xFFFFFFFF;
	p2 =	slt.u32 s8, $0xFFFFF086  }
0x1c: {  	p1 =	slt.u32 s9, $0xF7A;
	s5 =	simm.s32 @!p2 $0x0  }
0x1d: {  	s5 =	simm.s32 @p1 $0x1;
	p0 =	seq.s32 s7, s2  }
0x1e: {  	s7 =	smul.u32 @!p0 $0xF7A, s2;
	p2 =	seq.s32 @!p0 s5, $0x0  }
0x1f: {  	s9 =	smul.u32 $0xF7A, s1;
	s8 =	simm.s32 @!p0 $0x1BF5;
	p2 =	por !p2, p0  }
0x20: {  	[sflag:s8] =	ssyncset.s32 @!p0 $0xFFFFF086;
	s6 =	sadd.s32 @!p0 s3, s7;
	s7 =	simm.s32 @!p0 $0x108  }
0x21: {  	s3 =	sadd.s32 s3, s9;
	s6 =	sadd.s32 @!p0 $0x88, s6;
	s7 =	simm.s32 @p2 $0x1082  }
0x22: {  	[simem:s7], [sflag:s8] =	dma.local @!p0 [hbm:s6], $0xF7A  }
0x23: {  	s9 =	sor.u32 $0xD0000000, s2;
	s6 =	simm.s32 $0x108;
	_ =	swait.ge @!p0 [sflag:s8], $0x0  }
0x24: {  	s3 =	sadd.s32 $0x88, s3;
	s6 =	simm.s32 @!p1 $0x1082;
	[sflag:s4] =	ssyncset.s32 $0xFFFFF086  }
0x25: {  	[simem:s6], [sflag:s4] =	dma.local [hbm:s3], $0xF7A  }
0x26: {  	[smem:$0x3F9F] =	sst s1;
	(tag) =	ssettag s2;
	_ =	strace s9  }
0x27: {  	s1 =	sld [smem:$0x3FAF]  }
0x28: {  	s2 =	sld [smem:$0x3FB0]  }
0x29: {  	s4 =	sld [smem:$0x3FB2]  }
0x2a: {  	p0 =	seq.s32 s5, $0x0;
	s5 =	sld [smem:$0x3FB3]  }
0x2b: {  	s6 =	sld [smem:$0x3FB4]  }
0x2c: {  	s7 =	sld [smem:$0x3FB5]  }
0x2d: {  	s3 =	simm.s32 $0x108;
	s8 =	sld [smem:$0x3FB6]  }
0x2e: {  	s3 =	simm.s32 @!p0 $0x1082;
	s9 =	sld [smem:$0x3FB7]  }
0x2f: {  	lr =	sadd.s32 s0, s3;
	s0 =	sld [smem:$0x3FAE]  }
0x30: {  	s3 =	sld [smem:$0x3FB1]  }
0x31: {  	[smem:$0x3FBA] =	sst s10  }
0x32: {  	s10 =	sld [smem:$0x3FB8];
	_ =	sdelay $0x3  }
0x33: {  	p0 =	seq.s32 s10, $0x1;
	s10 =	sld [smem:$0x3FBA];
	_ =	sdelay $0x3  }
0x34: {  	[smem:$0x3FBA] =	sst s10  }
0x35: {  	s10 =	sld [smem:$0x3FB9];
	_ =	sdelay $0x3  }
0x36: {  	p1 =	seq.s32 s10, $0x1;
	s10 =	sld [smem:$0x3FBA];
	_ =	sdelay $0x3  }
0x37: {  	[smem:$0x3FBA] =	sst s10  }
0x38: {  	s10 =	sld [smem:$0x3FBB]  }
0x39: {  	_ = 	snop;
	(pc) =	sbr.ind lr, $3  }
0x3a: {  	_ = 	snop  }
0x3b: {  	_ = 	snop  }
0x3c: {  	p2 =	seq.s32 s10, $0x1;
	s10 =	sld [smem:$0x3FBA]  }
0x3d: {  	_ =	shalt  }
0x3e: {  	_ =	shalt  }
0x3f: {  	_ =	shalt  }
0x40: {  	_ =	shalt  }
0x41: {  	_ =	shalt  }
0x42: {  	_ =	shalt  }
0x43: {  	_ =	shalt  }
0x44: {  	_ =	shalt  }
0x45: {  	_ =	shalt  }
0x46: {  	_ =	shalt  }
0x47: {  	_ =	shalt  }
0x48: {  	_ =	shalt  }
0x49: {  	_ =	shalt  }
0x4a: {  	_ =	shalt  }
0x4b: {  	_ =	shalt  }
0x4c: {  	_ =	shalt  }
0x4d: {  	_ =	shalt  }
0x4e: {  	_ =	shalt  }
0x4f: {  	_ =	shalt  }
0x50: {  	_ =	shalt  }
0x51: {  	_ =	shalt  }
0x52: {  	_ =	shalt  }
0x53: {  	_ =	shalt  }
0x54: {  	_ =	shalt  }
0x55: {  	_ =	shalt  }
0x56: {  	_ =	shalt  }
0x57: {  	_ =	shalt  }
0x58: {  	_ =	shalt  }
0x59: {  	_ =	shalt  }
0x5a: {  	_ =	shalt  }
0x5b: {  	_ =	shalt  }
0x5c: {  	_ =	shalt  }
0x5d: {  	_ =	shalt  }
0x5e: {  	_ =	shalt  }
0x5f: {  	_ =	shalt  }
0x60: {  	_ =	shalt  }
0x61: {  	_ =	shalt  }
0x62: {  	_ =	shalt  }
0x63: {  	_ =	shalt  }
0x64: {  	_ =	shalt  }
0x65: {  	_ =	shalt  }
0x66: {  	_ =	shalt  }
0x67: {  	_ =	shalt  }
0x68: {  	_ =	shalt  }
0x69: {  	_ =	shalt  }
0x6a: {  	_ =	shalt  }
0x6b: {  	_ =	shalt  }
0x6c: {  	_ =	shalt  }
0x6d: {  	_ =	shalt  }
0x6e: {  	_ =	shalt  }
0x6f: {  	_ =	shalt  }
0x70: {  	_ =	shalt  }
0x71: {  	_ =	shalt  }
0x72: {  	_ =	shalt  }
0x73: {  	_ =	shalt  }
0x74: {  	_ =	shalt  }
0x75: {  	_ =	shalt  }
0x76: {  	_ =	shalt  }
0x77: {  	_ =	shalt  }
0x78: {  	_ =	shalt  }
0x79: {  	_ =	shalt  }
0x7a: {  	_ =	shalt  }
0x7b: {  	_ =	shalt  }
0x7c: {  	_ =	shalt  }
0x7d: {  	_ =	shalt  }
0x7e: {  	_ =	shalt  }
0x7f: {  	_ =	shalt  }
0x80: {  	_ =	shalt  }
0x81: {  	_ =	shalt  }
0x82: {  	_ =	shalt  }
0x83: {  	_ =	shalt  }
0x84: {  	_ =	shalt  }
0x85: {  	_ =	shalt  }
0x86: {  	_ =	shalt  }
0x87: {  	_ =	shalt  }
.Lfunc_end0:
.L_simem_size_0:
called_computation_lowered:
.L_overlay_start_0:
0x88: {  	s2 =	sld [smem:$0x3FD9]  }
0x89: {  	s3 =	sld [smem:$0x3FFE];
	_ =	sdelay $0x1  }
0x8a: {  	s1 =	srdreg.scid  }
0x8b: {  	s0 =	sand.u32 $0x1, s1  }
0x8c: {  	s18 =	sshll.u32 s0, $0xA;
	s2 =	sadd.s32 s3, s2  }
0x8d: {  	s2 =	sadd.s32 s2, s18  }
0x8e: {  	[smem:$0x3FC6] =	sst s2  }
0x8f: {  	_ = 	snop  }
0x90: {  	s2 =	sld [smem:$0x3FC9]  }
0x91: {  	s19 =	sld [smem:$0x3FC8]  }
0x92: {  	s4 =	sld [smem:$0x3FD0];
	(tm) =	ssettm $0x1  }
0x93: {  	s5 =	sld [smem:$0x3FFB];
	_ =	sdelay $0x3  }
0x94: {  	_ =	strace s5  }
0x95: {  	s5 =	sld [smem:$0x3FFC];
	_ =	sdelay $0x3  }
0x96: {  	_ =	strace s5  }
0x97: {  	s5 =	sld [smem:$0x3FFD];
	_ =	sdelay $0x3  }
0x98: {  	_ =	strace s5  }
0x99: {  	_ =	strace $0x8FFFFFFF  }
0x9a: {  	s20 =	sld [smem:$0x3FDB];
	_ =	sdelay $0x1  }
0x9b: {  	s6 =	simm.s32 $_scs_section_size  }
0x9c: {  	s7 =	simm.s32 $_size__tile_overlayer_lowered;
	s8 =	simm.s32 $_tile_overlayer_lowered  }
0x9d: {  	s23 =	simm.s32 $0x1BFF;
	s22 =	sshll.u32 s8, $0x1;
	s5 =	sadd.s32 s6, s20  }
0x9e: {  	s9 =	simm.s32 $0x0;
	s21 =	sshll.u32 s7, $0x1;
	s7 =	sadd.s32 s22, s5  }
0x9f: {  	[timem:s9], [sflag:s23] =	dma.local [hbm:s7], s21  }
0xa0: {  	_ =	swait.ge [sflag:s23], s21  }
0xa1: {  	s6 =	ssub.s32 $0x0, s21;
	[sflag:s23] =	ssyncset.done $0x0  }
0xa2: {  	[sflag:s23] =	ssyncadd.s32 s6;
	_ =	sdelay $0x1  }
0xa3: {  	s24 =	simm.s32 $0x1B8B  }
0xa4: {  	_ =	swait.ge [sflag:s24], $0x1  }
0xa5: {  	[sflag:s24] =	ssyncset.done $0x0  }
0xa6: {  	s25 =	simm.s32 $0x1B8E;
	[sflag:s24] =	ssyncadd.s32 $0xFFFFFFFF  }
0xa7: {  	s26 =	simm.s32 $execute0_lowered;
	[smem:$0x3FD2] =	sst s25  }
0xa8: {  	s6 =	sshll.u32 s26, $0x1;
	_ =	strace $0x80000046;
	[dreg:$0x1] =	wrdreg $0xFFFFFFFF  }
0xa9: {  	s28 =	simm.s32 $_size_execute0_lowered;
	s5 =	sadd.s32 s5, s6;
	[dreg:$0x0] =	wrdreg $0x0  }
0xaa: {  	s6 =	sshll.u32 s28, $0x1;
	[dreg:$0x2] =	wrdreg s5  }
0xab: {  	[dreg:$0x3] =	wrdreg s6  }
0xac: {  	[dreg:$0x4] =	wrdreg $0xC0  }
0xad: {  	_ =	task [dreg:s9], $0x5FFFF  }
0xae: {  	[dreg:$0x1] =	wrdreg $0xFFFFFFFF  }
0xaf: {  	[dreg:$0x0] =	wrdreg $0x60  }
0xb0: {  	[dreg:$0x2] =	wrdreg s2  }
0xb1: {  	[dreg:$0x3] =	wrdreg s19  }
0xb2: {  	[dreg:$0x4] =	wrdreg s4  }
0xb3: {  	[dreg:$0x5] =	wrdreg $0x9  }
0xb4: {  	_ =	task.clear_ibuf [dreg:s9], $0x6FFFF;
	_ =	strace $0x90000046  }
0xb5: {  	s29 =	simm.s32 $0x9;
	_ =	strace $0x80000048  }
0xb6: {  	_ =	swait.ge [sflag:s29], $0x1  }
0xb7: {  	[sflag:s29] =	ssyncadd.s32 $0xFFFFFFFF  }
0xb8: {  	_ =	strace $0x90000048  }
0xb9: {  	_ =	sfence  }
0xba: {  	s30 =	sld [smem:$0x0];
	_ =	sdelay $0x2  }
0xbb: {  	s31 =	sshll.u32 s1, $0xD;
	s1 =	sshrl.u32 s1, $0x2  }
0xbc: {  	s3 =	sand.u32 $0x4000, s31;
	s1 =	sadd.s32 s1, s30  }
0xbd: {  	s0 =	sor.u32 s3, s0;
	s1 =	sshll.u32 s1, $0x11  }
0xbe: {  	s0 =	sor.u32 s1, s0  }
0xbf: {  	s0 =	sadd.s32 $0x8F2B, s0  }
0xc0: {  	[sflag:s0] =	ssyncadd.remote.s32 $0x1  }
0xc1: {  	_ =	sfence.sel $0xFFFF  }
0xc2: {  	[dreg:$0x0] =	wrdreg $0xFFFFFFFF;
	(pc) =	sbr.abs _section_cstart, $3  }
0xc3: {  	[dreg:$0x1] =	wrdreg $0xFFFFFFFF  }
0xc4: {  	_ =	task.clear_ibuf [dreg:s9], $0x2FFFF;
	_ =	strace $0x9FFFFFFF  }
0xc5: {  	(tm) =	ssettm $0x7FFFFFFF  }
tec
execute0_lowered:
.L_overlay_start_1:
0x0: {  	(tag) =	ssettag $0x1  }
0x1: {  	s0 =	rddreg [dreg:$0x0]  }
0x2: {  	s1 =	rddreg [dreg:$0x1]  }
0x3: {  	s2 =	rddreg [dreg:$0x2];
	s3 =	srdreg.scid;
	v0 =	vimm.s32 $0xEFCDAB89  }
0x4: {  	s4 =	simm.s32 $0x0;
	s5 =	stileid.u32;
	v1 =	vimm.s32 $0x67452301;
	v2 =	vimm.s32 $0xDCFE98BA;
	v3 =	vimm.s32 $0x54761032;
	s8 =	simm.s32 $0x3  }
0x5: {  	v4 =	vimm.s32 $0xBA98FEDC;
	v5 =	vimm.s32 $0xFEDCBA98;
	s9 =	simm.s32 $0x10;
	s13 =	simm.s32 $0x1080;
	s14 =	simm.s32 $0x30  }
0x6: {  	v6 =	vimm.s32 $0x32107654;
	v7 =	vimm.s32 $0x76543210;
	s15 =	simm.s32 $0x1880;
	s16 =	simm.s32 $0x40;
	s17 =	simm.s32 $0x2080;
	v0 =	vunpack.c.l.s4.s8 v0  }
0x7: {  	s18 =	simm.s32 $0x50;
	s19 =	simm.s32 $0x2880;
	s20 =	simm.s32 $0x60;
	v1 =	vunpack.c.l.s4.s8 v1;
	v2 =	vunpack.c.l.s4.s8 v2;
	v3 =	vunpack.c.l.s4.s8 v3  }
0x8: {  	s21 =	simm.s32 $0x3080;
	s22 =	simm.s32 $0x70;
	s23 =	simm.s32 $0x3880;
	v5 =	vunpack.c.l.s4.s8 v5;
	v4 =	vunpack.c.l.s4.s8 v4;
	v6 =	vunpack.c.l.s4.s8 v6  }
0x9: {  	s24 =	simm.s32 $0x1;
	s25 =	simm.s32 $0x2;
	s3 =	sand.u32 $0x1, s3;
	v7 =	vunpack.c.l.s4.s8 v7;
	v0 =	vunpack.c.0.s8.s32 v0;
	v1 =	vunpack.c.0.s8.s32 v1  }
0xa: {  	s5 =	sshll.u32 s5, $0x8;
	s6 =	ssub.s32 $0x2, s3;
	s3 =	sshll.u32 s3, $0x7;
	v2 =	vunpack.c.0.s8.s32 v2;
	v3 =	vunpack.c.0.s8.s32 v3;
	v5 =	vunpack.c.0.s8.s32 v5  }
0xb: {  	s26 =	simm.s32 $0x0;
	s7 =	sshrl.u32 s6, $0x1;
	s5 =	sor.u32 s3, s5;
	v4 =	vunpack.c.0.s8.s32 v4;
	v6 =	vunpack.c.0.s8.s32 v6;
	v7 =	vunpack.c.0.s8.s32 v7  }
0xc: {  	[smem:$0x7FF] =	sst s4;
	s30 =	ssub.s32 s6, s7;
	s31 =	sshrl.u32 s5, $0x3;
	v0 =	vcombine.low v1, v0;
	v1 =	vcombine.low v3, v2;
	v3 =	vand.u32 $0xF, v5  }
0xd: {  	_ =	strace $0x80000047;
	s6 =	sadd.s32 s0, s31;
	s7 =	smax.u32 s30, $0x1;
	v2 =	vcombine.low v6, v4;
	v3 =	vcombine.low v3, v7  }
.LBB2_1:
0xe: {  	[tilespmem:s4], [sflag:$0x3] =	stream.linear.gather [hbm4b:s6+s4], $0x80, $0x38;
	[tilespmem:$0x4080] =	vst v63  }
0xf: {  	_ =	swait.ge [sflag:s8], $0x80  }
0x10: {  	[sflag:s8] =	ssyncset.done $0x0  }
0x11: {  	s0 =	simm.s32 $0x80;
	[sflag:s8] =	ssyncadd.s32 $0xFFFFFF80  }
0x12: {  	[tilespmem:s0], [sflag:$0x1] =	stream.indirect.gather [hbm4b:s1+s9], $0x80, s4, s9, $0xb8;
	[tilespmem:$0x4080] =	vst v63  }
0x13: {  	s30 =	simm.s32 $0x880  }
0x14: {  	[tilespmem:s30], [sflag:$0x1] =	stream.indirect.gather [hbm4b:s1+s9], $0x80, s9, s9, $0xb8;
	[tilespmem:$0x4080] =	vst v63  }
0x15: {  	s31 =	simm.s32 $0x20  }
0x16: {  	[tilespmem:s13], [sflag:$0x1] =	stream.indirect.gather [hbm4b:s1+s9], $0x80, s31, s9, $0xb8;
	[tilespmem:$0x4080] =	vst v63  }
0x17: {  	_ = 	snop  }
0x18: {  	[tilespmem:s15], [sflag:$0x1] =	stream.indirect.gather [hbm4b:s1+s9], $0x80, s14, s9, $0xb8;
	[tilespmem:$0x4080] =	vst v63  }
0x19: {  	_ = 	snop  }
0x1a: {  	[tilespmem:s17], [sflag:$0x1] =	stream.indirect.gather [hbm4b:s1+s9], $0x80, s16, s9, $0xb8;
	[tilespmem:$0x4080] =	vst v63  }
0x1b: {  	_ = 	snop  }
0x1c: {  	[tilespmem:s19], [sflag:$0x1] =	stream.indirect.gather [hbm4b:s1+s9], $0x80, s18, s9, $0xb8;
	[tilespmem:$0x4080] =	vst v63  }
0x1d: {  	_ = 	snop  }
0x1e: {  	[tilespmem:s21], [sflag:$0x1] =	stream.indirect.gather [hbm4b:s1+s9], $0x80, s20, s9, $0xb8;
	[tilespmem:$0x4080] =	vst v63  }
0x1f: {  	s28 =	simm.s32 $0xC0;
	s29 =	simm.s32 $0x0  }
0x20: {  	[tilespmem:s23], [sflag:$0x1] =	stream.indirect.gather [hbm4b:s1+s9], $0x80, s22, s9, $0xb8;
	[tilespmem:$0x4080] =	vst v63  }
.LBB2_2:
0x21: {  	v4 =	vmov s28;
	_ =	sdelay $0x1  }
0x22: {  	_ =	swait.ge [sflag:s24], $0x800  }
0x23: {  	[sflag:s24] =	ssyncset.done $0x0  }
0x24: {  	s31 =	simm.s32 $0x0;
	[sflag:s24] =	ssyncadd.s32 $0xFFFFF800  }
0x25: {  	v5 =	vld.idx.msk [tilespmem:v4+s31+$0xFFFFFFC0 ss:$0x1], $0xffff;
	_ =	sdelay $0x1  }
0x26: {  	v6 =	vld.idx.msk [tilespmem:v4+s31+$0xFFFFFFD0 ss:$0x1], $0xffff;
	_ =	sdelay $0x1  }
0x27: {  	v14 =	vld.idx.msk [tilespmem:v4+s31+$0xFFFFFFE0 ss:$0x1], $0xffff  }
0x28: {  	v7 =	vmul.f32 $1.442695020e+00, v5  }
0x29: {  	v25 =	vld.idx.msk [tilespmem:v4+s31+$0xFFFFFFF0 ss:$0x1], $0xffff  }
0x2a: {  	v26 =	vld.idx.msk [tilespmem:v4+s31+$0x0 ss:$0x1], $0xffff;
	v8 =	vmul.f32 $1.442695020e+00, v6;
	(erf) = vpow2.f32 v7;
	_ =	sdelay $0x1  }
0x2b: {  	v29 =	vld.idx.msk [tilespmem:v4+s31+$0x10 ss:$0x1], $0xffff;
	v7 =	vmul.f32 $1.442695020e+00, v14;
	(erf) = vpow2.f32 v8;
	_ =	sdelay $0x1  }
0x2c: {  	v19 =	vld.idx.msk [tilespmem:v4+s31+$0x20 ss:$0x1], $0xffff;
	v8 =	vmul.f32 $1.442695020e+00, v25;
	(erf) = vpow2.f32 v7  }
0x2d: {  	v7 =	vmul.f32 $1.442695020e+00, v26  }
0x2e: {  	(erf) = vpow2.f32 v8  }
0x2f: {  	v9 =	vld.idx.msk [tilespmem:v4+s31+$0x30 ss:$0x1], $0xffff;
	v8 =	vmul.f32 $1.442695020e+00, v29  }
0x30: {  	(erf) = vpow2.f32 v7  }
0x31: {  	v7 =	vpop (erf);
	(erf) = vpow2.f32 v8;
	v8 =	vmul.f32 $1.442695020e+00, v19;
	_ =	sdelay $0x1  }
0x32: {  	v10 =	vpop (erf)  }
0x33: {  	v7 =	vadd.f32 v10, v7;
	v10 =	vmul.f32 $1.442695020e+00, v9;
	(erf) = vpow2.f32 v8  }
0x34: {  	v8 =	vpop (erf)  }
0x35: {  	(erf) = vpow2.f32 v10;
	v7 =	vadd.f32 v8, v7  }
0x36: {  	v8 =	vpop (erf)  }
0x37: {  	s0 =	simm.s32 $0x80;
	v7 =	vadd.f32 v8, v7  }
0x38: {  	v10 =	vld.idx.msk [tilespmem:v4+s0+$0xFFFFFFC0 ss:$0x1], $0xffff;
	v8 =	vpop (erf)  }
0x39: {  	v11 =	vld.idx.msk [tilespmem:v4+s0+$0xFFFFFFD0 ss:$0x1], $0xffff;
	v8 =	vadd.f32 v8, v7  }
0x3a: {  	v12 =	vpop (erf)  }
0x3b: {  	v7 =	vld.idx.msk [tilespmem:v4+s0+$0xFFFFFFE0 ss:$0x1], $0xffff;
	v12 =	vadd.f32 v12, v8  }
0x3c: {  	v13 =	vpop (erf)  }
0x3d: {  	v16 =	vmul.f32 $1.442695020e+00, v10;
	v8 =	vld.idx.msk [tilespmem:v4+s0+$0xFFFFFFF0 ss:$0x1], $0xffff;
	v12 =	vadd.f32 v13, v12  }
0x3e: {  	v13 =	vmul.f32 $1.442695020e+00, v11;
	v17 =	vpop (erf)  }
0x3f: {  	v15 =	vld.idx.msk [tilespmem:v4+s0+$0x0 ss:$0x1], $0xffff;
	(erf) = vpow2.f32 v16;
	v12 =	vadd.f32 v17, v12  }
0x40: {  	v16 =	vld.idx.msk [tilespmem:v4+s0+$0x10 ss:$0x1], $0xffff;
	v17 =	vmul.f32 $1.442695020e+00, v7;
	(erf) = vpow2.f32 v13  }
0x41: {  	v18 =	vperm.xlane v12, v0  }
0x42: {  	v13 =	vld.idx.msk [tilespmem:v4+s0+$0x20 ss:$0x1], $0xffff;
	v20 =	vmul.f32 $1.442695020e+00, v8;
	(erf) = vpow2.f32 v17  }
0x43: {  	v17 =	vadd.f32 v12, v18  }
0x44: {  	(erf) = vpow2.f32 v20;
	v18 =	vmul.f32 $1.442695020e+00, v15  }
0x45: {  	v21 =	vmul.f32 $1.442695020e+00, v16;
	v12 =	vld.idx.msk [tilespmem:v4+s0+$0x30 ss:$0x1], $0xffff;
	v20 =	vperm.xlane v17, v1  }
0x46: {  	(erf) = vpow2.f32 v18  }
0x47: {  	v17 =	vadd.f32 v17, v20;
	v20 =	vmul.f32 $1.442695020e+00, v13  }
0x48: {  	(erf) = vpow2.f32 v21;
	v18 =	vpop (erf)  }
0x49: {  	v21 =	vpop (erf);
	v22 =	vperm.xlane v17, v2  }
0x4a: {  	v18 =	vadd.f32 v21, v18;
	v21 =	vmul.f32 $1.442695020e+00, v12;
	(erf) = vpow2.f32 v20  }
0x4b: {  	v20 =	vpop (erf);
	v22 =	vadd.f32 v17, v22  }
0x4c: {  	s3 =	simm.s32 $0x100;
	(erf) = vpow2.f32 v21;
	v18 =	vadd.f32 v20, v18  }
0x4d: {  	v17 =	vld.idx.msk [tilespmem:v4+s3+$0xFFFFFFC0 ss:$0x1], $0xffff;
	v20 =	vpop (erf);
	v21 =	vperm.xlane v22, v3  }
0x4e: {  	v20 =	vadd.f32 v20, v18  }
0x4f: {  	v23 =	vpop (erf);
	v30 =	vadd.f32 v22, v21  }
0x50: {  	v18 =	vld.idx.msk [tilespmem:v4+s3+$0xFFFFFFD0 ss:$0x1], $0xffff;
	v21 =	vadd.f32 v23, v20  }
0x51: {  	v28 =	vld.idx.msk [tilespmem:v4+s3+$0xFFFFFFE0 ss:$0x1], $0xffff;
	v22 =	vpop (erf);
	v23 =	vand.u32 $0x7FFFFF, v30  }
0x52: {  	v24 =	vmul.f32 $1.442695020e+00, v17;
	v20 =	vld.idx.msk [tilespmem:v4+s3+$0xFFFFFFF0 ss:$0x1], $0xffff;
	v21 =	vadd.f32 v22, v21;
	v27 =	vor.u32 $0x3F800000, v23  }
0x53: {  	v22 =	vpop (erf);
	v23 =	vadd.f32 $1.000000000e+00, v27  }
0x54: {  	(erf) = vpow2.f32 v24;
	v24 =	vadd.f32 v22, v21  }
0x55: {  	v31 =	vmul.f32 $1.442695020e+00, v18;
	v32 =	vpop (erf);
	(erf) = vrcp.f32 v23  }
0x56: {  	v22 =	vld.idx.msk [tilespmem:v4+s3+$0x0 ss:$0x1], $0xffff;
	v23 =	vmul.f32 $1.442695020e+00, v28;
	v24 =	vadd.f32 v32, v24  }
0x57: {  	v21 =	vld.idx.msk [tilespmem:v4+s3+$0x10 ss:$0x1], $0xffff;
	(erf) = vpow2.f32 v31;
	v31 =	vmul.f32 $1.442695020e+00, v20  }
0x58: {  	(erf) = vpow2.f32 v23;
	v23 =	vperm.xlane v24, v0;
	_ =	sdelay $0x1  }
0x59: {  	(erf) = vpow2.f32 v31;
	v31 =	vadd.f32 v24, v23;
	v24 =	vld.idx.msk [tilespmem:v4+s3+$0x20 ss:$0x1], $0xffff  }
0x5a: {  	v52 =	vmul.f32 $1.442695020e+00, v22;
	v23 =	vld.idx.msk [tilespmem:v4+s3+$0x30 ss:$0x1], $0xffff  }
0x5b: {  	v33 =	vmul.f32 $1.442695020e+00, v21;
	v53 =	vperm.xlane v31, v1  }
0x5c: {  	v27 =	vadd.f32 $-1.000000000e+00, v27;
	(erf) = vpow2.f32 v52;
	v34 =	vpop (erf)  }
0x5d: {  	(erf) = vpow2.f32 v33;
	v31 =	vadd.f32 v31, v53;
	v54 =	vpop (erf)  }
0x5e: {  	v37 =	vmul.f32 v54, v27;
	v27 =	vmul.f32 $1.442695020e+00, v24  }
0x5f: {  	s10 =	simm.s32 $0x180;
	v55 =	vpop (erf);
	v35 =	vmul.f32 $1.442695020e+00, v23;
	v57 =	vperm.xlane v31, v2  }
0x60: {  	v33 =	vld.idx.msk [tilespmem:v4+s10+$0xFFFFFFC0 ss:$0x1], $0xffff;
	v56 =	vadd.f32 v55, v34;
	v38 =	vmul.f32 v37, v37;
	(erf) = vpow2.f32 v27  }
0x61: {  	v36 =	vpop (erf);
	v31 =	vadd.f32 v31, v57  }
0x62: {  	v27 =	vadd.f32 v36, v56;
	(erf) = vpow2.f32 v35;
	v59 =	vmul.f32 $4.000000060e-01, v38  }
0x63: {  	v58 =	vpop (erf);
	v60 =	vperm.xlane v31, v3  }
0x64: {  	v27 =	vadd.f32 v58, v27;
	v39 =	vadd.f32 $6.666666860e-01, v59  }
0x65: {  	v30 =	vshra.s32 v30, $0x17;
	v34 =	vld.idx.msk [tilespmem:v4+s10+$0xFFFFFFD0 ss:$0x1], $0xffff;
	v61 =	vpop (erf);
	v35 =	vadd.f32 v31, v60;
	v31 =	vmul.f32 $1.442695020e+00, v33  }
0x66: {  	v30 =	vadd.s32 $0xFFFFFF81, v30;
	v36 =	vadd.f32 v61, v27;
	v27 =	vld.idx.msk [tilespmem:v4+s10+$0xFFFFFFE0 ss:$0x1], $0xffff;
	v39 =	vmul.f32 v39, v38  }
0x67: {  	v40 =	vcvt.s32.f32 v30;
	v62 =	vpop (erf);
	v63 =	vand.u32 $0x7FFFFF, v35  }
0x68: {  	v32 =	vld.idx.msk [tilespmem:v4+s10+$0xFFFFFFF0 ss:$0x1], $0xffff;
	v41 =	vadd.f32 v62, v36;
	v38 =	vor.u32 $0x3F800000, v63;
	v39 =	vadd.f32 $2.000000000e+00, v39  }
0x69: {  	v40 =	vmul.f32 $6.931471820e-01, v40;
	(erf) = vpow2.f32 v31;
	v43 =	vadd.f32 $1.000000000e+00, v38;
	v31 =	vpop (erf)  }
0x6a: {  	v30 =	vld.idx.msk [tilespmem:v4+s10+$0x0 ss:$0x1], $0xffff;
	v36 =	vmul.f32 $1.442695020e+00, v34;
	v39 =	vmul.f32 v39, v37;
	v41 =	vadd.f32 v31, v41  }
0x6b: {  	s30 =	sshll.u32 s29, $0x4;
	s11 =	simm.s32 $0x800;
	v31 =	vld.idx.msk [tilespmem:v4+s10+$0x10 ss:$0x1], $0xffff;
	v37 =	vmul.f32 $1.442695020e+00, v27;
	v42 =	vpop (erf);
	(erf) = vrcp.f32 v43  }
.LBB2_3:
0x6c: {  	p0 =	seq.s32 s11, $0x1E00;
	(erf) = vpow2.f32 v36;
	v36 =	vadd.f32 v42, v41;
	v39 =	vadd.f32 v39, v40  }
0x6d: {  	v40 =	vmul.f32 $1.442695020e+00, v32  }
0x6e: {  	v41 =	vld.idx.msk [tilespmem:v4+s10+$0x30 ss:$0x1], $0xffff;
	(erf) = vpow2.f32 v37;
	v37 =	vperm.xlane v36, v0;
	v42 =	vsub.f32 v5, v39;
	v5 =	vmovc v10  }
0x6f: {  	v44 =	vmul.f32 $1.442695020e+00, v30;
	v45 =	vsub.f32 v6, v39;
	v10 =	vmovc v17;
	v17 =	vmovc v33;
	v6 =	vmov v11;
	v43 =	vld.idx.msk [tilespmem:v4+s10+$0x20 ss:$0x1], $0xffff  }
0x70: {  	(erf) = vpow2.f32 v40;
	v33 =	vadd.f32 v36, v37;
	[tilespmem:v4+s31+$0xFFFFFFC0 ss:$0x1] =	vst.idx.msk $0xffff, v42;
	v40 =	vsub.f32 v14, v39  }
0x71: {  	v25 =	vsub.f32 v25, v39;
	v11 =	vmovc v18;
	v18 =	vmov v34;
	v36 =	vmul.f32 $1.442695020e+00, v31;
	[tilespmem:v4+s31+$0xFFFFFFD0 ss:$0x1] =	vst.idx.msk $0xffff, v45  }
0x72: {  	v26 =	vsub.f32 v26, v39;
	v34 =	vpop (erf);
	(erf) = vpow2.f32 v44;
	v37 =	vperm.xlane v33, v1;
	[tilespmem:v4+s31+$0xFFFFFFE0 ss:$0x1] =	vst.idx.msk $0xffff, v40  }
0x73: {  	v38 =	vadd.f32 $-1.000000000e+00, v38;
	v14 =	vmovc v7;
	v7 =	vmov v28;
	[tilespmem:v4+s31+$0xFFFFFFF0 ss:$0x1] =	vst.idx.msk $0xffff, v25;
	v25 =	vsub.f32 v29, v39  }
0x74: {  	(erf) = vpow2.f32 v36;
	v28 =	vadd.f32 v33, v37;
	v29 =	vpop (erf);
	[tilespmem:v4+s31+$0x0 ss:$0x1] =	vst.idx.msk $0xffff, v26;
	v36 =	vsub.f32 v19, v39  }
0x75: {  	v26 =	vmul.f32 $1.442695020e+00, v43;
	v33 =	vpop (erf);
	v37 =	vmul.f32 v29, v38;
	[tilespmem:v4+s31+$0x10 ss:$0x1] =	vst.idx.msk $0xffff, v25;
	v38 =	vsub.f32 v9, v39  }
0x76: {  	s12 =	sshra.s32 s11, $0x2;
	v29 =	vmul.f32 $1.442695020e+00, v41;
	v25 =	vadd.f32 v33, v34;
	v34 =	vperm.xlane v28, v2;
	[tilespmem:v4+s31+$0x20 ss:$0x1] =	vst.idx.msk $0xffff, v36  }
0x77: {  	v9 =	vmov v12;
	v33 =	vld.idx.msk [tilespmem:v4+s12+$0xFFFFFFC0 ss:$0x1], $0xffff;
	v19 =	vpop (erf);
	(erf) = vpow2.f32 v26;
	v36 =	vmul.f32 v37, v37;
	[tilespmem:v4+s31+$0x30 ss:$0x1] =	vst.idx.msk $0xffff, v38;
	s31 =	smov.u32 s0;
	s0 =	smov.u32 s3;
	s3 =	smov.u32 s10  }
0x78: {  	v12 =	vmovc v23;
	v23 =	vmovc v41;
	s10 =	smov.u32 s12;
	v42 =	vadd.f32 v19, v25;
	v26 =	vadd.f32 v28, v34;
	v19 =	vmov v13  }
0x79: {  	v13 =	vmov v24;
	v28 =	vpop (erf);
	(erf) = vpow2.f32 v29;
	v29 =	vmul.f32 $4.000000060e-01, v36  }
0x7a: {  	v24 =	vmovc v43;
	v34 =	vld.idx.msk [tilespmem:v4+s10+$0xFFFFFFD0 ss:$0x1], $0xffff;
	v38 =	vadd.f32 v28, v42;
	v39 =	vperm.xlane v26, v3;
	v28 =	vmov v27  }
0x7b: {  	v25 =	vmov v8;
	v8 =	vmov v20;
	v40 =	vpop (erf);
	v29 =	vadd.f32 $6.666666860e-01, v29  }
0x7c: {  	v20 =	vmovc v32;
	v27 =	vld.idx.msk [tilespmem:v4+s10+$0xFFFFFFE0 ss:$0x1], $0xffff;
	v38 =	vadd.f32 v40, v38;
	v39 =	vadd.f32 v26, v39;
	v26 =	vmov v15  }
0x7d: {  	v43 =	vshra.s32 v35, $0x17;
	v40 =	vmul.f32 $1.442695020e+00, v33;
	v15 =	vpop (erf);
	v44 =	vmul.f32 v29, v36  }
.Ltmp0:
0x7e: {  	v42 =	vadd.s32 $0xFFFFFF81, v43;
	v32 =	vld.idx.msk [tilespmem:v4+s10+$0xFFFFFFF0 ss:$0x1], $0xffff;
	v41 =	vadd.f32 v15, v38;
	v36 =	vand.u32 $0x7FFFFF, v39;
	v35 =	vmovc v39;
	v15 =	vmovc v22;
	(pc) =	sbr.rel @!p0 .LBB2_3-.Ltmp0, $4  }
0x7f: {  	v45 =	vcvt.s32.f32 v42;
	v22 =	vmovc v30;
	v38 =	vor.u32 $0x3F800000, v36;
	v39 =	vadd.f32 $2.000000000e+00, v44;
	v29 =	vmovc v16  }
0x80: {  	v36 =	vmul.f32 $1.442695020e+00, v34;
	v30 =	vld.idx.msk [tilespmem:v4+s10+$0x0 ss:$0x1], $0xffff;
	(erf) = vpow2.f32 v40;
	v16 =	vpop (erf);
	v43 =	vadd.f32 $1.000000000e+00, v38  }
0x81: {  	v40 =	vmul.f32 $6.931471820e-01, v45;
	v41 =	vadd.f32 v16, v41;
	v39 =	vmul.f32 v39, v37;
	v16 =	vmovc v21;
	v21 =	vmovc v31  }
0x82: {  	s11 =	sadd.s32 $0x200, s11;
	v37 =	vmul.f32 $1.442695020e+00, v27;
	v31 =	vld.idx.msk [tilespmem:v4+s10+$0x10 ss:$0x1], $0xffff;
	v42 =	vpop (erf);
	(erf) = vrcp.f32 v43  }
0x83: {  	_ = 	snop  }
0x84: {  	(erf) = vpow2.f32 v36;
	_ =	sdelay $0x1  }
0x85: {  	v43 =	vmul.f32 $1.442695020e+00, v32;
	(erf) = vpow2.f32 v37  }
0x86: {  	v36 =	vld.idx.msk [tilespmem:v4+s10+$0x20 ss:$0x1], $0xffff  }
0x87: {  	v44 =	vmul.f32 $1.442695020e+00, v30;
	(erf) = vpow2.f32 v43  }
0x88: {  	v37 =	vld.idx.msk [tilespmem:v4+s10+$0x30 ss:$0x1], $0xffff  }
0x89: {  	v54 =	vmul.f32 $1.442695020e+00, v31;
	(erf) = vpow2.f32 v44  }
0x8a: {  	v55 =	vpop (erf)  }
0x8b: {  	v45 =	vmul.f32 $1.442695020e+00, v36;
	(erf) = vpow2.f32 v54;
	v56 =	vpop (erf)  }
0x8c: {  	v46 =	vpop (erf)  }
0x8d: {  	v57 =	vmul.f32 $1.442695020e+00, v37;
	(erf) = vpow2.f32 v45;
	v44 =	vadd.f32 v46, v55  }
0x8e: {  	v58 =	vpop (erf)  }
0x8f: {  	(erf) = vpow2.f32 v57;
	v44 =	vadd.f32 v58, v44  }
0x90: {  	v41 =	vadd.f32 v42, v41;
	v59 =	vpop (erf)  }
0x91: {  	v42 =	vadd.f32 v59, v44  }
0x92: {  	v60 =	vperm.xlane v41, v0;
	v61 =	vpop (erf)  }
0x93: {  	v42 =	vadd.f32 v61, v42  }
0x94: {  	v41 =	vadd.f32 v41, v60;
	v62 =	vpop (erf)  }
0x95: {  	v42 =	vadd.f32 v62, v42  }
0x96: {  	v63 =	vperm.xlane v41, v1;
	v48 =	vpop (erf)  }
0x97: {  	v42 =	vadd.f32 v48, v42  }
0x98: {  	v41 =	vadd.f32 v41, v63;
	v49 =	vpop (erf)  }
0x99: {  	v42 =	vadd.f32 v49, v42  }
0x9a: {  	v50 =	vperm.xlane v41, v2  }
0x9b: {  	v51 =	vperm.xlane v42, v0  }
0x9c: {  	v41 =	vadd.f32 v41, v50  }
0x9d: {  	v42 =	vadd.f32 v42, v51  }
0x9e: {  	v44 =	vperm.xlane v41, v3  }
0x9f: {  	v45 =	vperm.xlane v42, v1  }
0xa0: {  	v41 =	vadd.f32 v41, v44  }
0xa1: {  	v42 =	vadd.f32 v42, v45  }
0xa2: {  	v44 =	vand.u32 $0x7FFFFF, v41  }
0xa3: {  	v44 =	vor.u32 $0x3F800000, v44;
	v45 =	vperm.xlane v42, v2  }
0xa4: {  	v52 =	vadd.f32 $1.000000000e+00, v44  }
0xa5: {  	v42 =	vadd.f32 v42, v45  }
0xa6: {  	(erf) = vrcp.f32 v52  }
0xa7: {  	v38 =	vadd.f32 $-1.000000000e+00, v38;
	v45 =	vperm.xlane v42, v3;
	_ =	sdelay $0x1  }
0xa8: {  	v38 =	vmul.f32 v56, v38;
	v42 =	vadd.f32 v42, v45;
	_ =	sdelay $0x1  }
0xa9: {  	v43 =	vmul.f32 v38, v38;
	v45 =	vand.u32 $0x7FFFFF, v42  }
0xaa: {  	v45 =	vor.u32 $0x3F800000, v45  }
0xab: {  	v53 =	vmul.f32 $4.000000060e-01, v43;
	v47 =	vadd.f32 $1.000000000e+00, v45  }
0xac: {  	v44 =	vadd.f32 $-1.000000000e+00, v44  }
0xad: {  	v39 =	vadd.f32 v39, v40;
	v54 =	vadd.f32 $6.666666860e-01, v53;
	v55 =	vpop (erf);
	(erf) = vrcp.f32 v47  }
0xae: {  	v44 =	vmul.f32 v55, v44  }
0xaf: {  	v35 =	vshra.s32 v35, $0x17;
	v5 =	vsub.f32 v5, v39;
	v40 =	vmul.f32 v54, v43  }
0xb0: {  	v35 =	vadd.s32 $0xFFFFFF81, v35;
	v6 =	vsub.f32 v6, v39;
	v56 =	vmul.f32 v44, v44  }
0xb1: {  	[tilespmem:v4+s31+$0xFFFFFFC0 ss:$0x1] =	vst.idx.msk $0xffff, v5;
	v5 =	vsub.f32 v14, v39;
	v57 =	vcvt.s32.f32 v35;
	v58 =	vadd.f32 $2.000000000e+00, v40  }
0xb2: {  	v60 =	vsub.f32 v26, v39;
	[tilespmem:v4+s31+$0xFFFFFFD0 ss:$0x1] =	vst.idx.msk $0xffff, v6;
	v59 =	vsub.f32 v25, v39;
	v61 =	vmul.f32 $4.000000060e-01, v56  }
0xb3: {  	[tilespmem:v4+s31+$0xFFFFFFE0 ss:$0x1] =	vst.idx.msk $0xffff, v5;
	v5 =	vsub.f32 v29, v39;
	v14 =	vmul.f32 $6.931471820e-01, v57;
	v62 =	vmul.f32 v58, v38  }
0xb4: {  	v63 =	vsub.f32 v19, v39;
	[tilespmem:v4+s31+$0xFFFFFFF0 ss:$0x1] =	vst.idx.msk $0xffff, v59;
	v35 =	vadd.f32 $6.666666860e-01, v61  }
0xb5: {  	[tilespmem:v4+s31+$0x0 ss:$0x1] =	vst.idx.msk $0xffff, v60;
	v14 =	vadd.f32 v62, v14;
	v38 =	vadd.f32 $-1.000000000e+00, v45  }
0xb6: {  	[tilespmem:v4+s31+$0x10 ss:$0x1] =	vst.idx.msk $0xffff, v5;
	v5 =	vsub.f32 v9, v39;
	v40 =	vmul.f32 v35, v56;
	v43 =	vpop (erf)  }
0xb7: {  	v46 =	vshra.s32 v41, $0x17;
	[tilespmem:v4+s31+$0x20 ss:$0x1] =	vst.idx.msk $0xffff, v63;
	v45 =	vsub.f32 v10, v14;
	v19 =	vmul.f32 v43, v38  }
0xb8: {  	[tilespmem:v4+s31+$0x30 ss:$0x1] =	vst.idx.msk $0xffff, v5;
	v5 =	vsub.f32 v11, v14;
	v10 =	vadd.s32 $0xFFFFFF81, v46;
	v9 =	vadd.f32 $2.000000000e+00, v40  }
0xb9: {  	v48 =	vcvt.s32.f32 v10;
	[tilespmem:v4+s0+$0xFFFFFFC0 ss:$0x1] =	vst.idx.msk $0xffff, v45;
	v47 =	vsub.f32 v7, v14;
	v49 =	vmul.f32 v19, v19  }
0xba: {  	v50 =	vmul.f32 v9, v44;
	[tilespmem:v4+s0+$0xFFFFFFD0 ss:$0x1] =	vst.idx.msk $0xffff, v5;
	v5 =	vsub.f32 v8, v14  }
0xbb: {  	v51 =	vsub.f32 v15, v14;
	v7 =	vmul.f32 $6.931471820e-01, v48;
	[tilespmem:v4+s0+$0xFFFFFFE0 ss:$0x1] =	vst.idx.msk $0xffff, v47;
	v52 =	vmul.f32 $4.000000060e-01, v49  }
0xbc: {  	v53 =	vsub.f32 v13, v14;
	[tilespmem:v4+s0+$0xFFFFFFF0 ss:$0x1] =	vst.idx.msk $0xffff, v5;
	v5 =	vsub.f32 v16, v14  }
0xbd: {  	v54 =	vadd.f32 v50, v7;
	[tilespmem:v4+s0+$0x0 ss:$0x1] =	vst.idx.msk $0xffff, v51;
	v55 =	vadd.f32 $6.666666860e-01, v52  }
0xbe: {  	[tilespmem:v4+s0+$0x10 ss:$0x1] =	vst.idx.msk $0xffff, v5;
	v5 =	vsub.f32 v12, v14  }
0xbf: {  	v56 =	vshra.s32 v42, $0x17;
	v8 =	vsub.f32 v17, v54;
	[tilespmem:v4+s0+$0x20 ss:$0x1] =	vst.idx.msk $0xffff, v53;
	v7 =	vmul.f32 v55, v49  }
0xc0: {  	v9 =	vadd.s32 $0xFFFFFF81, v56;
	[tilespmem:v4+s0+$0x30 ss:$0x1] =	vst.idx.msk $0xffff, v5;
	v5 =	vsub.f32 v18, v54  }
0xc1: {  	v9 =	vcvt.s32.f32 v9;
	v57 =	vsub.f32 v28, v54;
	[tilespmem:v4+s3+$0xFFFFFFC0 ss:$0x1] =	vst.idx.msk $0xffff, v8;
	v7 =	vadd.f32 $2.000000000e+00, v7  }
0xc2: {  	[tilespmem:v4+s3+$0xFFFFFFD0 ss:$0x1] =	vst.idx.msk $0xffff, v5;
	v5 =	vsub.f32 v20, v54  }
0xc3: {  	v9 =	vmul.f32 $6.931471820e-01, v9;
	v58 =	vsub.f32 v22, v54;
	[tilespmem:v4+s3+$0xFFFFFFE0 ss:$0x1] =	vst.idx.msk $0xffff, v57;
	v7 =	vmul.f32 v7, v19  }
0xc4: {  	[tilespmem:v4+s3+$0xFFFFFFF0 ss:$0x1] =	vst.idx.msk $0xffff, v5;
	v5 =	vsub.f32 v21, v54  }
0xc5: {  	v59 =	vsub.f32 v24, v54;
	[tilespmem:v4+s3+$0x0 ss:$0x1] =	vst.idx.msk $0xffff, v58;
	v7 =	vadd.f32 v7, v9  }
0xc6: {  	[tilespmem:v4+s3+$0x10 ss:$0x1] =	vst.idx.msk $0xffff, v5;
	v5 =	vsub.f32 v23, v54  }
0xc7: {  	[tilespmem:v4+s3+$0x20 ss:$0x1] =	vst.idx.msk $0xffff, v59;
	v60 =	vsub.f32 v33, v7  }
0xc8: {  	[tilespmem:v4+s3+$0x30 ss:$0x1] =	vst.idx.msk $0xffff, v5;
	v5 =	vsub.f32 v34, v7  }
0xc9: {  	v61 =	vsub.f32 v27, v7;
	[tilespmem:v4+s10+$0xFFFFFFC0 ss:$0x1] =	vst.idx.msk $0xffff, v60  }
0xca: {  	[tilespmem:v4+s10+$0xFFFFFFD0 ss:$0x1] =	vst.idx.msk $0xffff, v5;
	v5 =	vsub.f32 v32, v7  }
0xcb: {  	s12 =	sshll.u32 s29, $0xB;
	s29 =	sadd.s32 $0x1, s29;
	v62 =	vsub.f32 v30, v7;
	[tilespmem:v4+s10+$0xFFFFFFE0 ss:$0x1] =	vst.idx.msk $0xffff, v61  }
0xcc: {  	p0 =	seq.s32 s29, $0x8;
	[tilespmem:v4+s10+$0xFFFFFFF0 ss:$0x1] =	vst.idx.msk $0xffff, v5;
	v5 =	vsub.f32 v31, v7  }
.Ltmp1:
0xcd: {  	v63 =	vsub.f32 v36, v7;
	[tilespmem:v4+s10+$0x0 ss:$0x1] =	vst.idx.msk $0xffff, v62;
	(pc) =	sbr.rel @!p0 .LBB2_2-.Ltmp1, $4  }
0xce: {  	s31 =	sadd.s32 s5, s30;
	[tilespmem:v4+s10+$0x10 ss:$0x1] =	vst.idx.msk $0xffff, v5;
	v5 =	vsub.f32 v37, v7  }
0xcf: {  	s0 =	sand.u32 $0x3FFFF800, s12;
	s3 =	sshll.u32 s31, $0x4;
	[tilespmem:v4+s10+$0x20 ss:$0x1] =	vst.idx.msk $0xffff, v63  }
0xd0: {  	s28 =	sadd.s32 $0x800, s28;
	s0 =	sor.u32 $0x80, s0;
	s3 =	sadd.s32 s2, s3;
	[tilespmem:v4+s10+$0x30 ss:$0x1] =	vst.idx.msk $0xffff, v5  }
0xd1: {  	[hbm4b:s3+s4] =	stream.linear.scatter [tilespmem:s0], [sflag:$0x2], $0x800, $0x38;
	[tilespmem:$0x4080] =	vst v63  }
0xd2: {  	_ =	swait.ge [sflag:s25], $0x800  }
0xd3: {  	[sflag:s25] =	ssyncset.done $0x0  }
0xd4: {  	[sflag:s25] =	ssyncadd.s32 $0xFFFFF800  }
0xd5: {  	_ =	swait.ge [sflag:s25], $0x800  }
0xd6: {  	[sflag:s25] =	ssyncset.done $0x0  }
0xd7: {  	[sflag:s25] =	ssyncadd.s32 $0xFFFFF800  }
0xd8: {  	_ =	swait.ge [sflag:s25], $0x800  }
0xd9: {  	[sflag:s25] =	ssyncset.done $0x0  }
0xda: {  	[sflag:s25] =	ssyncadd.s32 $0xFFFFF800  }
0xdb: {  	_ =	swait.ge [sflag:s25], $0x800  }
0xdc: {  	[sflag:s25] =	ssyncset.done $0x0  }
0xdd: {  	[sflag:s25] =	ssyncadd.s32 $0xFFFFF800  }
0xde: {  	_ =	swait.ge [sflag:s25], $0x800  }
0xdf: {  	[sflag:s25] =	ssyncset.done $0x0  }
0xe0: {  	[sflag:s25] =	ssyncadd.s32 $0xFFFFF800  }
0xe1: {  	_ =	swait.ge [sflag:s25], $0x800  }
0xe2: {  	[sflag:s25] =	ssyncset.done $0x0  }
0xe3: {  	s26 =	sadd.s32 $0x1, s26;
	[sflag:s25] =	ssyncadd.s32 $0xFFFFF800  }
0xe4: {  	p0 =	sne.s32 s26, s7;
	_ =	swait.ge [sflag:s25], $0x800  }
.Ltmp2:
0xe5: {  	[sflag:s25] =	ssyncset.done $0x0;
	(pc) =	sbr.rel @p0 .LBB2_1-.Ltmp2, $4  }
0xe6: {  	[sflag:s25] =	ssyncadd.s32 $0xFFFFF800  }
0xe7: {  	_ =	swait.ge [sflag:s25], $0x800  }
0xe8: {  	[sflag:s25] =	ssyncset.done $0x0  }
0xe9: {  	[sflag:s25] =	ssyncadd.s32 $0xFFFFF800  }
0xea: {  	_ =	sfence.sel $0x180000  }
0xeb: {  	[bflag:$0x0] =	sbarrier.arrive $0xFFFF  }
0xec: {  	_ =	strace $0x90000047  }
0xed: {  	s0 =	stileid.u32;
	[bflag:$0x2] =	sbarrier.arrive $0xFFFF  }
0xee: {  	p0 =	sne.s32 s0, $0x0;
	s0 =	rddreg [dreg:$0x3]  }
0xef: {  	s0 =	sadd.s32 @!p0 $0x100000, s0  }
0xf0: {  	[sflag:s0] =	ssyncadd.tile.s32 @!p0 $0x1;
	_ =	shalt  }
.Lfunc_end2:
_tile_overlayer_lowered:
.L_overlay_start_2:
0xf1: {  	(tag) =	ssettag $0x2  }
0xf2: {  	s0 =	rddreg [dreg:$0x0];
	s2 =	stileid.u32  }
0xf3: {  	s1 =	rddreg [dreg:$0x1];
	p0 =	sne.s32 s2, $0x0  }
0xf4: {  	s3 =	rddreg [dreg:$0x2];
	[bflag:$0x3] =	sbarrier.arrive $0xFFFF;
	s2 =	simm.s32 @!p0 $0x1C03  }
0xf5: {  	[timem:s3], [sflag:s2] =	dma.local @!p0 [hbm:s0], s1  }
0xf6: {  	s0 =	simm.s32 @!p0 $0x3  }
0xf7: {  	_ =	swait.ge @!p0 [sflag:s0], s1  }
0xf8: {  	s1 =	ssub.s32 @!p0 $0x0, s1;
	[sflag:s0] =	ssyncset.done @!p0 $0x0  }
0xf9: {  	[sflag:s0] =	ssyncadd.s32 @!p0 s1  }
0xfa: {  	[bflag:$0x3] =	sbarrier.arrive $0xFFFF  }
0xfb: {  	_ =	shalt  }

</sc_bundles>
